<compile_context>
chip_gen: v7x
topology: tpu7x:2x2x1
jax: 0.10.2.dev20260603
libtpu: 0.0.44.dev20260713+nightly
codegen_flags: <defaults>
</compile_context>

<pallas_src>
import functools

import jax
import jax.numpy as jnp
from jax import lax
from jax.experimental import pallas as pl
from jax.experimental.pallas import tpu as pltpu
from jax.experimental.pallas import tpu_sc as plsc

_PROMPT_LAYER_INDICES = (0,)
_NC, _NS, _L = 2, 16, 16
_NW = _NC * _NS


@functools.cache
def _build_sc_gather(B, T, E, NT, P, zero_prefix):
    PR = B * P
    assert PR % _NW == 0
    pr_w = PR // _NW
    assert pr_w == _L
    w_per_b = _NW // B
    assert P == w_per_b * pr_w

    mesh = plsc.VectorSubcoreMesh(core_axis_name="c", subcore_axis_name="s")

    def body(tab_hbm, pidx_hbm, out_hbm, idx_v, pbuf, sg, sp):
        wid = lax.axis_index("s") * _NC + lax.axis_index("c")
        w_b = wid // w_per_b
        w_c = wid % w_per_b
        if zero_prefix:
            def zcol(j, carry):
                for r in range(_L):
                    pbuf[r, pl.ds(j * _L, _L)] = jnp.zeros((_L,), jnp.float32)
                return carry
            lax.fori_loop(0, E // _L, zcol, 0)
        else:
            pltpu.sync_copy(pidx_hbm.at[pl.ds(wid * pr_w, pr_w)], idx_v)
            gather = pltpu.make_async_copy(tab_hbm.at[idx_v], pbuf, sg)
            gather.start()
            gather.wait()
        orow0 = w_b * (P + T) + w_c * pr_w
        store = pltpu.make_async_copy(
            pbuf, out_hbm.at[pl.ds(orow0, pr_w)], sp)
        store.start()
        store.wait()

    return pl.kernel(
        body,
        out_type=jax.ShapeDtypeStruct((B * (P + T), E), jnp.float32),
        mesh=mesh,
        scratch_types=[
            pltpu.VMEM((_L,), jnp.int32),
            pltpu.VMEM((pr_w, E), jnp.float32),
            pltpu.SemaphoreType.DMA,
            pltpu.SemaphoreType.DMA,
        ],
    )


@functools.cache
def _build_tc_assemble(B, T, E, P):
    CR = 1024
    NBUF, LA = 4, 2
    assert T % CR == 0
    chunks = []
    for b in range(B):
        for j in range(T // CR):
            chunks.append((b * T + j * CR, b * (P + T) + P + j * CR))
    n = len(chunks)

    def body(al_ref, in_ref, o_ref, bufs, isem, osem):
        del al_ref

        def in_copy(k):
            sr, _ = chunks[k]
            return pltpu.make_async_copy(
                in_ref.at[pl.ds(sr, CR)], bufs.at[k % NBUF], isem.at[k % NBUF])

        def out_copy(k):
            _, orow = chunks[k]
            return pltpu.make_async_copy(
                bufs.at[k % NBUF], o_ref.at[pl.ds(orow, CR)], osem.at[k % NBUF])

        for j in range(LA):
            in_copy(j).start()
        for k in range(n):
            in_copy(k).wait()
            out_copy(k).start()
            if k + LA < n:
                if k >= NBUF - LA:
                    out_copy(k + LA - NBUF).wait()
                in_copy(k + LA).start()
        for k in range(n - NBUF, n):
            out_copy(k).wait()

    return pl.pallas_call(
        body,
        in_specs=[
            pl.BlockSpec(memory_space=pl.ANY),
            pl.BlockSpec(memory_space=pl.ANY),
        ],
        out_specs=pl.BlockSpec(memory_space=pl.ANY),
        out_shape=jax.ShapeDtypeStruct((B * (P + T), E), jnp.float32),
        input_output_aliases={0: 0},
        scratch_shapes=[
            pltpu.VMEM((NBUF, CR, E), jnp.float32),
            pltpu.SemaphoreType.DMA((NBUF,)),
            pltpu.SemaphoreType.DMA((NBUF,)),
        ],
    )


def kernel(input_embedding, layer_idx, task_ids, prompt_table):
    B, T, E = input_embedding.shape
    NT, P, _ = prompt_table.shape
    if P == 0:
        return input_embedding
    active = jnp.any(
        jnp.asarray(_PROMPT_LAYER_INDICES, jnp.int32)
        == jnp.asarray(layer_idx, jnp.int32))
    in_rows = input_embedding.reshape(B * T, E)
    tab_rows = prompt_table.reshape(NT * P, E)
    prow_idx = (task_ids.astype(jnp.int32)[:, None] * P
                + jnp.arange(P, dtype=jnp.int32)[None, :]).reshape(B * P)
    pre = lax.cond(
        active,
        lambda a, b: _build_sc_gather(B, T, E, NT, P, False)(a, b),
        lambda a, b: _build_sc_gather(B, T, E, NT, P, True)(a, b),
        tab_rows, prow_idx)
    out = _build_tc_assemble(B, T, E, P)(pre, in_rows)
    return out.reshape(B, P + T, E)

# --- scband reference (transcript-rebuilt; emitter-appended) ---
"""Pipeline reference for scband-prefix-tuning-62508954026561 (READ-ONLY COPY).

The authoritative reference and input builder live on the scoring server;
editing this copy changes nothing except your own understanding.
"""

import jax, jax.numpy as jnp
import numpy as np

B, T, E = 4, 2048, 2048
P = 128           # prompt_len
NUM_TASKS = 16
PROMPT_LAYER_INDICES = (0,)


def setup_inputs(seed: int = 0) -> dict:
    key = jax.random.key(seed)
    k1, k2, k3 = jax.random.split(key, 3)
    input_embedding = jax.random.normal(k1, (B, T, E), dtype=jnp.float32)
    task_ids = jax.random.randint(k2, (B,), 0, NUM_TASKS, dtype=jnp.int32)
    # learned per-task prompt embeddings for layer 0 (the ParameterDict in torch),
    # materialized as a dense table [num_tasks, prompt_len, embed_dim]
    prompt_table = jax.random.normal(k3, (NUM_TASKS, P, E), dtype=jnp.float32) * 0.02
    return {
        "input_embedding": input_embedding,
        "layer_idx": 0,
        "task_ids": task_ids,
        "prompt_table": prompt_table,
    }


def reference(input_embedding, layer_idx, task_ids, prompt_table):
    # PrefixTuning.forward
    if P == 0:
        return input_embedding
    active = jnp.any(jnp.asarray(PROMPT_LAYER_INDICES) == layer_idx)
    # _retrieve_embedding: per-example gather of the task prompt -> [B, P, E]
    prompt_embedding = jnp.take(prompt_table, task_ids, axis=0)
    prompt_embedding = prompt_embedding * active.astype(prompt_embedding.dtype)
    # prefix_concat: [B, P+T, E]
    return jnp.concatenate((prompt_embedding, input_embedding), axis=1)

if __name__ == "__main__":
    import jax
    _d = setup_inputs()
    print(jax.jit(kernel)(*tuple(_d.values())))

</pallas_src>

<mosaic_0001>
#map = affine_map<(d0, d1) -> (0, 0)>
#map1 = affine_map<(d0, d1) -> (0)>
module attributes {stable_mosaic.version = 14 : i64} {
  func.func @body(%arg0: i32, %arg1: i32, %arg2: memref<2048x2048xf32, #tpu.memory_space<hbm>>, %arg3: memref<512xi32, #tpu.memory_space<hbm>>, %arg4: memref<8704x2048xf32, #tpu.memory_space<hbm>>, %arg5: memref<16xi32, #tpu.memory_space<vmem>>, %arg6: memref<16x2048xf32, #tpu.memory_space<vmem>>, %arg7: memref<!tpu.dma_semaphore, #tpu.memory_space<semaphore_mem>>, %arg8: memref<!tpu.dma_semaphore, #tpu.memory_space<semaphore_mem>>) attributes {dimension_semantics = [#tpu.dimension_semantics<core_parallel>, #tpu.dimension_semantics<subcore_parallel>], iteration_bounds = array<i64: 2, 16>, scalar_prefetch = 0 : i64, scratch_operands = 4 : i64, tpu.core_type = #tpu.core_type<sc_vector_subcore>, window_params = [{transform_indices = #map}, {transform_indices = #map1}, {transform_indices = #map}]} {
    %mul3A = arith.constant 2 : i32
    %mul3A_0 = arith.muli %arg1, %mul3A : i32
    %add3A = arith.addi %mul3A_0, %arg0 : i32
    %jit3A = arith.constant 8 : i32
    %div3A = arith.divsi %add3A, %jit3A : i32
    %sign3A = arith.constant 0 : i32
    %sign3A_1 = arith.cmpi sgt, %add3A, %sign3A : i32
    %sign3A_2 = arith.extui %sign3A_1 : i1 to i32
    %sign3A_3 = arith.constant 0 : i32
    %sign3A_4 = arith.cmpi slt, %add3A, %sign3A_3 : i32
    %sign3A_5 = arith.extui %sign3A_4 : i1 to i32
    %sign3A_6 = arith.subi %sign3A_2, %sign3A_5 : i32
    %sign3A_7 = arith.constant 0 : i32
    %sign3A_8 = arith.cmpi sgt, %jit3A, %sign3A_7 : i32
    %sign3A_9 = arith.extui %sign3A_8 : i1 to i32
    %sign3A_10 = arith.constant 0 : i32
    %sign3A_11 = arith.cmpi slt, %jit3A, %sign3A_10 : i32
    %sign3A_12 = arith.extui %sign3A_11 : i1 to i32
    %sign3A_13 = arith.subi %sign3A_9, %sign3A_12 : i32
    %ne3A = arith.cmpi ne, %sign3A_6, %sign3A_13 : i32
    %rem3A = arith.remsi %add3A, %jit3A : i32
    %ne3A_14 = arith.constant 0 : i32
    %ne3A_15 = arith.cmpi ne, %rem3A, %ne3A_14 : i32
    %and3A = arith.andi %ne3A, %ne3A_15 : i1
    %sub3A = arith.constant 1 : i32
    %sub3A_16 = arith.subi %div3A, %sub3A : i32
    %select_n3A = arith.select %and3A, %sub3A_16, %div3A : i32
    %jit3A_17 = arith.constant 8 : i32
    %eq3A = arith.constant 0 : i32
    %eq3A_18 = arith.cmpi eq, %jit3A_17, %eq3A : i32
    %jit3A_19 = arith.constant 1 : i32
    %select_n3A_20 = arith.select %eq3A_18, %jit3A_19, %jit3A_17 : i32
    %rem3A_21 = arith.remsi %add3A, %select_n3A_20 : i32
    %ne3A_22 = arith.constant 0 : i32
    %ne3A_23 = arith.cmpi ne, %rem3A_21, %ne3A_22 : i32
    %lt3A = arith.constant 0 : i32
    %lt3A_24 = arith.cmpi slt, %rem3A_21, %lt3A : i32
    %lt3A_25 = arith.constant 0 : i32
    %lt3A_26 = arith.cmpi slt, %select_n3A_20, %lt3A_25 : i32
    %ne3A_27 = arith.xori %lt3A_24, %lt3A_26 : i1
    %and3A_28 = arith.andi %ne3A_27, %ne3A_23 : i1
    %add3A_29 = arith.addi %rem3A_21, %select_n3A_20 : i32
    %select_n3A_30 = arith.select %and3A_28, %add3A_29, %rem3A_21 : i32
    %mul3A_31 = arith.constant 16 : i32
    %mul3A_32 = arith.muli %add3A, %mul3A_31 : i32
    "tpu.region"() ({
      %run_scoped3A = tpu.sem_alloc : memref<!tpu.dma_semaphore, #tpu.memory_space<semaphore_mem>>
      %dma_start3A_50 = tpu.memref_slice %arg3[%mul3A_32] : memref<512xi32, #tpu.memory_space<hbm>> -> memref<16xi32, #tpu.memory_space<hbm>>
      %dma_start3A_51 = tpu.memref_slice %arg3[%mul3A_32] : memref<512xi32, #tpu.memory_space<hbm>> -> memref<16xi32, #tpu.memory_space<hbm>>
      tpu.enqueue_dma source(%dma_start3A_51 : memref<16xi32, #tpu.memory_space<hbm>>) target(%arg5 : memref<16xi32, #tpu.memory_space<vmem>>) target_semaphore(%run_scoped3A : memref<!tpu.dma_semaphore, #tpu.memory_space<semaphore_mem>>)
      %dma_wait3A_52 = tpu.memref_slice %arg3[%mul3A_32] : memref<512xi32, #tpu.memory_space<hbm>> -> memref<16xi32, #tpu.memory_space<hbm>>
      %dma_wait3A_53 = tpu.memref_slice %arg3[%mul3A_32] : memref<512xi32, #tpu.memory_space<hbm>> -> memref<16xi32, #tpu.memory_space<hbm>>
      tpu.wait_dma2 semaphore(%run_scoped3A : memref<!tpu.dma_semaphore, #tpu.memory_space<semaphore_mem>>) src(%dma_wait3A_53 : memref<16xi32, #tpu.memory_space<hbm>>) dst(%arg5 : memref<16xi32, #tpu.memory_space<vmem>>)
      tpu.yield
    }) : () -> ()
    %dma_start3A = arith.constant 0 : i32
    %dma_start3A_33 = arith.constant 0 : i32
    %dma_start3A_34 = tpu.memref_slice %arg2[%dma_start3A, %dma_start3A_33] : memref<2048x2048xf32, #tpu.memory_space<hbm>> -> memref<2048x2048xf32, #tpu.memory_space<hbm>>
    tpu.enqueue_indirect_dma source(%dma_start3A_34 : memref<2048x2048xf32, #tpu.memory_space<hbm>>) target(%arg6 : memref<16x2048xf32, #tpu.memory_space<vmem>>) offsets(%arg5 : memref<16xi32, #tpu.memory_space<vmem>>) semaphore(%arg7 : memref<!tpu.dma_semaphore, #tpu.memory_space<semaphore_mem>>)
    %dma_wait3A = arith.constant 0 : i32
    %dma_wait3A_35 = arith.constant 0 : i32
    %dma_wait3A_36 = tpu.memref_slice %arg2[%dma_wait3A, %dma_wait3A_35] : memref<2048x2048xf32, #tpu.memory_space<hbm>> -> memref<2048x2048xf32, #tpu.memory_space<hbm>>
    tpu.wait_indirect_dma semaphore(%arg7 : memref<!tpu.dma_semaphore, #tpu.memory_space<semaphore_mem>>) src(%dma_wait3A_36 : memref<2048x2048xf32, #tpu.memory_space<hbm>>) dst(%arg6 : memref<16x2048xf32, #tpu.memory_space<vmem>>)
    %mul3A_37 = arith.constant 2176 : i32
    %mul3A_38 = arith.muli %select_n3A, %mul3A_37 : i32
    %mul3A_39 = arith.constant 16 : i32
    %mul3A_40 = arith.muli %select_n3A_30, %mul3A_39 : i32
    %add3A_41 = arith.addi %mul3A_38, %mul3A_40 : i32
    %dma_start3A_42 = arith.constant 0 : i32
    %dma_start3A_43 = tpu.memref_slice %arg4[%add3A_41, %dma_start3A_42] : memref<8704x2048xf32, #tpu.memory_space<hbm>> -> memref<16x2048xf32, #tpu.memory_space<hbm>>
    %dma_start3A_44 = arith.constant 0 : i32
    %dma_start3A_45 = tpu.memref_slice %arg4[%add3A_41, %dma_start3A_44] : memref<8704x2048xf32, #tpu.memory_space<hbm>> -> memref<16x2048xf32, #tpu.memory_space<hbm>>
    tpu.enqueue_dma source(%arg6 : memref<16x2048xf32, #tpu.memory_space<vmem>>) target(%dma_start3A_45 : memref<16x2048xf32, #tpu.memory_space<hbm>>) target_semaphore(%arg8 : memref<!tpu.dma_semaphore, #tpu.memory_space<semaphore_mem>>)
    %dma_wait3A_46 = arith.constant 0 : i32
    %dma_wait3A_47 = tpu.memref_slice %arg4[%add3A_41, %dma_wait3A_46] : memref<8704x2048xf32, #tpu.memory_space<hbm>> -> memref<16x2048xf32, #tpu.memory_space<hbm>>
    %dma_wait3A_48 = arith.constant 0 : i32
    %dma_wait3A_49 = tpu.memref_slice %arg4[%add3A_41, %dma_wait3A_48] : memref<8704x2048xf32, #tpu.memory_space<hbm>> -> memref<16x2048xf32, #tpu.memory_space<hbm>>
    tpu.wait_dma2 semaphore(%arg8 : memref<!tpu.dma_semaphore, #tpu.memory_space<semaphore_mem>>) src(%arg6 : memref<16x2048xf32, #tpu.memory_space<vmem>>) dst(%dma_wait3A_49 : memref<16x2048xf32, #tpu.memory_space<hbm>>)
    return
  }
}

#map = affine_map<(d0, d1) -> (0, 0)>
#map1 = affine_map<(d0, d1) -> (0)>
module attributes {stable_mosaic.version = 14 : i64} {
  func.func @body(%arg0: i32, %arg1: i32, %arg2: memref<2048x2048xf32, #tpu.memory_space<hbm>>, %arg3: memref<512xi32, #tpu.memory_space<hbm>>, %arg4: memref<8704x2048xf32, #tpu.memory_space<hbm>>, %arg5: memref<16xi32, #tpu.memory_space<vmem>>, %arg6: memref<16x2048xf32, #tpu.memory_space<vmem>>, %arg7: memref<!tpu.dma_semaphore, #tpu.memory_space<semaphore_mem>>, %arg8: memref<!tpu.dma_semaphore, #tpu.memory_space<semaphore_mem>>) attributes {dimension_semantics = [#tpu.dimension_semantics<core_parallel>, #tpu.dimension_semantics<subcore_parallel>], iteration_bounds = array<i64: 2, 16>, scalar_prefetch = 0 : i64, scratch_operands = 4 : i64, tpu.core_type = #tpu.core_type<sc_vector_subcore>, window_params = [{transform_indices = #map}, {transform_indices = #map1}, {transform_indices = #map}]} {
    %mul3A = arith.constant 2 : i32
    %mul3A_0 = arith.muli %arg1, %mul3A : i32
    %add3A = arith.addi %mul3A_0, %arg0 : i32
    %jit3A = arith.constant 8 : i32
    %div3A = arith.divsi %add3A, %jit3A : i32
    %sign3A = arith.constant 0 : i32
    %sign3A_1 = arith.cmpi sgt, %add3A, %sign3A : i32
    %sign3A_2 = arith.extui %sign3A_1 : i1 to i32
    %sign3A_3 = arith.constant 0 : i32
    %sign3A_4 = arith.cmpi slt, %add3A, %sign3A_3 : i32
    %sign3A_5 = arith.extui %sign3A_4 : i1 to i32
    %sign3A_6 = arith.subi %sign3A_2, %sign3A_5 : i32
    %sign3A_7 = arith.constant 0 : i32
    %sign3A_8 = arith.cmpi sgt, %jit3A, %sign3A_7 : i32
    %sign3A_9 = arith.extui %sign3A_8 : i1 to i32
    %sign3A_10 = arith.constant 0 : i32
    %sign3A_11 = arith.cmpi slt, %jit3A, %sign3A_10 : i32
    %sign3A_12 = arith.extui %sign3A_11 : i1 to i32
    %sign3A_13 = arith.subi %sign3A_9, %sign3A_12 : i32
    %ne3A = arith.cmpi ne, %sign3A_6, %sign3A_13 : i32
    %rem3A = arith.remsi %add3A, %jit3A : i32
    %ne3A_14 = arith.constant 0 : i32
    %ne3A_15 = arith.cmpi ne, %rem3A, %ne3A_14 : i32
    %and3A = arith.andi %ne3A, %ne3A_15 : i1
    %sub3A = arith.constant 1 : i32
    %sub3A_16 = arith.subi %div3A, %sub3A : i32
    %select_n3A = arith.select %and3A, %sub3A_16, %div3A : i32
    %jit3A_17 = arith.constant 8 : i32
    %eq3A = arith.constant 0 : i32
    %eq3A_18 = arith.cmpi eq, %jit3A_17, %eq3A : i32
    %jit3A_19 = arith.constant 1 : i32
    %select_n3A_20 = arith.select %eq3A_18, %jit3A_19, %jit3A_17 : i32
    %rem3A_21 = arith.remsi %add3A, %select_n3A_20 : i32
    %ne3A_22 = arith.constant 0 : i32
    %ne3A_23 = arith.cmpi ne, %rem3A_21, %ne3A_22 : i32
    %lt3A = arith.constant 0 : i32
    %lt3A_24 = arith.cmpi slt, %rem3A_21, %lt3A : i32
    %lt3A_25 = arith.constant 0 : i32
    %lt3A_26 = arith.cmpi slt, %select_n3A_20, %lt3A_25 : i32
    %ne3A_27 = arith.xori %lt3A_24, %lt3A_26 : i1
    %and3A_28 = arith.andi %ne3A_27, %ne3A_23 : i1
    %add3A_29 = arith.addi %rem3A_21, %select_n3A_20 : i32
    %select_n3A_30 = arith.select %and3A_28, %add3A_29, %rem3A_21 : i32
    %scan3A = arith.constant 0 : i32
    %scan3A_31 = arith.constant 0 : i32
    %scan3A_32 = arith.constant 128 : i32
    %scan3A_33 = arith.addi %scan3A_31, %scan3A_32 : i32
    %scan3A_34 = arith.constant 1 : i32
    scf.for %scan3A_47 = %scan3A_31 to %scan3A_33 step %scan3A_34  : i32 {
      %broadcast_in_dim3A = arith.constant 0.000000e+00 : f32
      %broadcast_in_dim3A_48 = vector.broadcast %broadcast_in_dim3A : f32 to vector<16xf32>
      %mul3A_49 = arith.constant 16 : i32
      %mul3A_50 = arith.muli %scan3A_47, %mul3A_49 : i32
      %swap3A = arith.constant 0 : i32
      %swap3A_51 = arith.index_cast %swap3A : i32 to index
      %swap3A_52 = arith.index_cast %mul3A_50 : i32 to index
      %swap3A_53 = tpu.vector_load %arg6[%swap3A_51, %swap3A_52] {strides = array<i32>} : memref<16x2048xf32, #tpu.memory_space<vmem>>, vector<1x16xf32>,
      %swap3A_54 = vector.shape_cast %swap3A_53 : vector<1x16xf32> to vector<16xf32>
      %swap3A_55 = vector.shape_cast %broadcast_in_dim3A_48 : vector<16xf32> to vector<1x16xf32>
      tpu.vector_store %arg6[%swap3A_51, %swap3A_52], %swap3A_55 {strides = array<i32>} : memref<16x2048xf32, #tpu.memory_space<vmem>>, vector<1x16xf32>,
      %broadcast_in_dim3A_56 = arith.constant 0.000000e+00 : f32
      %broadcast_in_dim3A_57 = vector.broadcast %broadcast_in_dim3A_56 : f32 to vector<16xf32>
      %mul3A_58 = arith.constant 16 : i32
      %mul3A_59 = arith.muli %scan3A_47, %mul3A_58 : i32
      %swap3A_60 = arith.constant 1 : i32
      %swap3A_61 = arith.index_cast %swap3A_60 : i32 to index
      %swap3A_62 = arith.index_cast %mul3A_59 : i32 to index
      %swap3A_63 = tpu.vector_load %arg6[%swap3A_61, %swap3A_62] {strides = array<i32>} : memref<16x2048xf32, #tpu.memory_space<vmem>>, vector<1x16xf32>,
      %swap3A_64 = vector.shape_cast %swap3A_63 : vector<1x16xf32> to vector<16xf32>
      %swap3A_65 = vector.shape_cast %broadcast_in_dim3A_57 : vector<16xf32> to vector<1x16xf32>
      tpu.vector_store %arg6[%swap3A_61, %swap3A_62], %swap3A_65 {strides = array<i32>} : memref<16x2048xf32, #tpu.memory_space<vmem>>, vector<1x16xf32>,
      %broadcast_in_dim3A_66 = arith.constant 0.000000e+00 : f32
      %broadcast_in_dim3A_67 = vector.broadcast %broadcast_in_dim3A_66 : f32 to vector<16xf32>
      %mul3A_68 = arith.constant 16 : i32
      %mul3A_69 = arith.muli %scan3A_47, %mul3A_68 : i32
      %swap3A_70 = arith.constant 2 : i32
      %swap3A_71 = arith.index_cast %swap3A_70 : i32 to index
      %swap3A_72 = arith.index_cast %mul3A_69 : i32 to index
      %swap3A_73 = tpu.vector_load %arg6[%swap3A_71, %swap3A_72] {strides = array<i32>} : memref<16x2048xf32, #tpu.memory_space<vmem>>, vector<1x16xf32>,
      %swap3A_74 = vector.shape_cast %swap3A_73 : vector<1x16xf32> to vector<16xf32>
      %swap3A_75 = vector.shape_cast %broadcast_in_dim3A_67 : vector<16xf32> to vector<1x16xf32>
      tpu.vector_store %arg6[%swap3A_71, %swap3A_72], %swap3A_75 {strides = array<i32>} : memref<16x2048xf32, #tpu.memory_space<vmem>>, vector<1x16xf32>,
      %broadcast_in_dim3A_76 = arith.constant 0.000000e+00 : f32
      %broadcast_in_dim3A_77 = vector.broadcast %broadcast_in_dim3A_76 : f32 to vector<16xf32>
      %mul3A_78 = arith.constant 16 : i32
      %mul3A_79 = arith.muli %scan3A_47, %mul3A_78 : i32
      %swap3A_80 = arith.constant 3 : i32
      %swap3A_81 = arith.index_cast %swap3A_80 : i32 to index
      %swap3A_82 = arith.index_cast %mul3A_79 : i32 to index
      %swap3A_83 = tpu.vector_load %arg6[%swap3A_81, %swap3A_82] {strides = array<i32>} : memref<16x2048xf32, #tpu.memory_space<vmem>>, vector<1x16xf32>,
      %swap3A_84 = vector.shape_cast %swap3A_83 : vector<1x16xf32> to vector<16xf32>
      %swap3A_85 = vector.shape_cast %broadcast_in_dim3A_77 : vector<16xf32> to vector<1x16xf32>
      tpu.vector_store %arg6[%swap3A_81, %swap3A_82], %swap3A_85 {strides = array<i32>} : memref<16x2048xf32, #tpu.memory_space<vmem>>, vector<1x16xf32>,
      %broadcast_in_dim3A_86 = arith.constant 0.000000e+00 : f32
      %broadcast_in_dim3A_87 = vector.broadcast %broadcast_in_dim3A_86 : f32 to vector<16xf32>
      %mul3A_88 = arith.constant 16 : i32
      %mul3A_89 = arith.muli %scan3A_47, %mul3A_88 : i32
      %swap3A_90 = arith.constant 4 : i32
      %swap3A_91 = arith.index_cast %swap3A_90 : i32 to index
      %swap3A_92 = arith.index_cast %mul3A_89 : i32 to index
      %swap3A_93 = tpu.vector_load %arg6[%swap3A_91, %swap3A_92] {strides = array<i32>} : memref<16x2048xf32, #tpu.memory_space<vmem>>, vector<1x16xf32>,
      %swap3A_94 = vector.shape_cast %swap3A_93 : vector<1x16xf32> to vector<16xf32>
      %swap3A_95 = vector.shape_cast %broadcast_in_dim3A_87 : vector<16xf32> to vector<1x16xf32>
      tpu.vector_store %arg6[%swap3A_91, %swap3A_92], %swap3A_95 {strides = array<i32>} : memref<16x2048xf32, #tpu.memory_space<vmem>>, vector<1x16xf32>,
      %broadcast_in_dim3A_96 = arith.constant 0.000000e+00 : f32
      %broadcast_in_dim3A_97 = vector.broadcast %broadcast_in_dim3A_96 : f32 to vector<16xf32>
      %mul3A_98 = arith.constant 16 : i32
      %mul3A_99 = arith.muli %scan3A_47, %mul3A_98 : i32
      %swap3A_100 = arith.constant 5 : i32
      %swap3A_101 = arith.index_cast %swap3A_100 : i32 to index
      %swap3A_102 = arith.index_cast %mul3A_99 : i32 to index
      %swap3A_103 = tpu.vector_load %arg6[%swap3A_101, %swap3A_102] {strides = array<i32>} : memref<16x2048xf32, #tpu.memory_space<vmem>>, vector<1x16xf32>,
      %swap3A_104 = vector.shape_cast %swap3A_103 : vector<1x16xf32> to vector<16xf32>
      %swap3A_105 = vector.shape_cast %broadcast_in_dim3A_97 : vector<16xf32> to vector<1x16xf32>
      tpu.vector_store %arg6[%swap3A_101, %swap3A_102], %swap3A_105 {strides = array<i32>} : memref<16x2048xf32, #tpu.memory_space<vmem>>, vector<1x16xf32>,
      %broadcast_in_dim3A_106 = arith.constant 0.000000e+00 : f32
      %broadcast_in_dim3A_107 = vector.broadcast %broadcast_in_dim3A_106 : f32 to vector<16xf32>
      %mul3A_108 = arith.constant 16 : i32
      %mul3A_109 = arith.muli %scan3A_47, %mul3A_108 : i32
      %swap3A_110 = arith.constant 6 : i32
      %swap3A_111 = arith.index_cast %swap3A_110 : i32 to index
      %swap3A_112 = arith.index_cast %mul3A_109 : i32 to index
      %swap3A_113 = tpu.vector_load %arg6[%swap3A_111, %swap3A_112] {strides = array<i32>} : memref<16x2048xf32, #tpu.memory_space<vmem>>, vector<1x16xf32>,
      %swap3A_114 = vector.shape_cast %swap3A_113 : vector<1x16xf32> to vector<16xf32>
      %swap3A_115 = vector.shape_cast %broadcast_in_dim3A_107 : vector<16xf32> to vector<1x16xf32>
      tpu.vector_store %arg6[%swap3A_111, %swap3A_112], %swap3A_115 {strides = array<i32>} : memref<16x2048xf32, #tpu.memory_space<vmem>>, vector<1x16xf32>,
      %broadcast_in_dim3A_116 = arith.constant 0.000000e+00 : f32
      %broadcast_in_dim3A_117 = vector.broadcast %broadcast_in_dim3A_116 : f32 to vector<16xf32>
      %mul3A_118 = arith.constant 16 : i32
      %mul3A_119 = arith.muli %scan3A_47, %mul3A_118 : i32
      %swap3A_120 = arith.constant 7 : i32
      %swap3A_121 = arith.index_cast %swap3A_120 : i32 to index
      %swap3A_122 = arith.index_cast %mul3A_119 : i32 to index
      %swap3A_123 = tpu.vector_load %arg6[%swap3A_121, %swap3A_122] {strides = array<i32>} : memref<16x2048xf32, #tpu.memory_space<vmem>>, vector<1x16xf32>,
      %swap3A_124 = vector.shape_cast %swap3A_123 : vector<1x16xf32> to vector<16xf32>
      %swap3A_125 = vector.shape_cast %broadcast_in_dim3A_117 : vector<16xf32> to vector<1x16xf32>
      tpu.vector_store %arg6[%swap3A_121, %swap3A_122], %swap3A_125 {strides = array<i32>} : memref<16x2048xf32, #tpu.memory_space<vmem>>, vector<1x16xf32>,
      %broadcast_in_dim3A_126 = arith.constant 0.000000e+00 : f32
      %broadcast_in_dim3A_127 = vector.broadcast %broadcast_in_dim3A_126 : f32 to vector<16xf32>
      %mul3A_128 = arith.constant 16 : i32
      %mul3A_129 = arith.muli %scan3A_47, %mul3A_128 : i32
      %swap3A_130 = arith.constant 8 : i32
      %swap3A_131 = arith.index_cast %swap3A_130 : i32 to index
      %swap3A_132 = arith.index_cast %mul3A_129 : i32 to index
      %swap3A_133 = tpu.vector_load %arg6[%swap3A_131, %swap3A_132] {strides = array<i32>} : memref<16x2048xf32, #tpu.memory_space<vmem>>, vector<1x16xf32>,
      %swap3A_134 = vector.shape_cast %swap3A_133 : vector<1x16xf32> to vector<16xf32>
      %swap3A_135 = vector.shape_cast %broadcast_in_dim3A_127 : vector<16xf32> to vector<1x16xf32>
      tpu.vector_store %arg6[%swap3A_131, %swap3A_132], %swap3A_135 {strides = array<i32>} : memref<16x2048xf32, #tpu.memory_space<vmem>>, vector<1x16xf32>,
      %broadcast_in_dim3A_136 = arith.constant 0.000000e+00 : f32
      %broadcast_in_dim3A_137 = vector.broadcast %broadcast_in_dim3A_136 : f32 to vector<16xf32>
      %mul3A_138 = arith.constant 16 : i32
      %mul3A_139 = arith.muli %scan3A_47, %mul3A_138 : i32
      %swap3A_140 = arith.constant 9 : i32
      %swap3A_141 = arith.index_cast %swap3A_140 : i32 to index
      %swap3A_142 = arith.index_cast %mul3A_139 : i32 to index
      %swap3A_143 = tpu.vector_load %arg6[%swap3A_141, %swap3A_142] {strides = array<i32>} : memref<16x2048xf32, #tpu.memory_space<vmem>>, vector<1x16xf32>,
      %swap3A_144 = vector.shape_cast %swap3A_143 : vector<1x16xf32> to vector<16xf32>
      %swap3A_145 = vector.shape_cast %broadcast_in_dim3A_137 : vector<16xf32> to vector<1x16xf32>
      tpu.vector_store %arg6[%swap3A_141, %swap3A_142], %swap3A_145 {strides = array<i32>} : memref<16x2048xf32, #tpu.memory_space<vmem>>, vector<1x16xf32>,
      %broadcast_in_dim3A_146 = arith.constant 0.000000e+00 : f32
      %broadcast_in_dim3A_147 = vector.broadcast %broadcast_in_dim3A_146 : f32 to vector<16xf32>
      %mul3A_148 = arith.constant 16 : i32
      %mul3A_149 = arith.muli %scan3A_47, %mul3A_148 : i32
      %swap3A_150 = arith.constant 10 : i32
      %swap3A_151 = arith.index_cast %swap3A_150 : i32 to index
      %swap3A_152 = arith.index_cast %mul3A_149 : i32 to index
      %swap3A_153 = tpu.vector_load %arg6[%swap3A_151, %swap3A_152] {strides = array<i32>} : memref<16x2048xf32, #tpu.memory_space<vmem>>, vector<1x16xf32>,
      %swap3A_154 = vector.shape_cast %swap3A_153 : vector<1x16xf32> to vector<16xf32>
      %swap3A_155 = vector.shape_cast %broadcast_in_dim3A_147 : vector<16xf32> to vector<1x16xf32>
      tpu.vector_store %arg6[%swap3A_151, %swap3A_152], %swap3A_155 {strides = array<i32>} : memref<16x2048xf32, #tpu.memory_space<vmem>>, vector<1x16xf32>,
      %broadcast_in_dim3A_156 = arith.constant 0.000000e+00 : f32
      %broadcast_in_dim3A_157 = vector.broadcast %broadcast_in_dim3A_156 : f32 to vector<16xf32>
      %mul3A_158 = arith.constant 16 : i32
      %mul3A_159 = arith.muli %scan3A_47, %mul3A_158 : i32
      %swap3A_160 = arith.constant 11 : i32
      %swap3A_161 = arith.index_cast %swap3A_160 : i32 to index
      %swap3A_162 = arith.index_cast %mul3A_159 : i32 to index
      %swap3A_163 = tpu.vector_load %arg6[%swap3A_161, %swap3A_162] {strides = array<i32>} : memref<16x2048xf32, #tpu.memory_space<vmem>>, vector<1x16xf32>,
      %swap3A_164 = vector.shape_cast %swap3A_163 : vector<1x16xf32> to vector<16xf32>
      %swap3A_165 = vector.shape_cast %broadcast_in_dim3A_157 : vector<16xf32> to vector<1x16xf32>
      tpu.vector_store %arg6[%swap3A_161, %swap3A_162], %swap3A_165 {strides = array<i32>} : memref<16x2048xf32, #tpu.memory_space<vmem>>, vector<1x16xf32>,
      %broadcast_in_dim3A_166 = arith.constant 0.000000e+00 : f32
      %broadcast_in_dim3A_167 = vector.broadcast %broadcast_in_dim3A_166 : f32 to vector<16xf32>
      %mul3A_168 = arith.constant 16 : i32
      %mul3A_169 = arith.muli %scan3A_47, %mul3A_168 : i32
      %swap3A_170 = arith.constant 12 : i32
      %swap3A_171 = arith.index_cast %swap3A_170 : i32 to index
      %swap3A_172 = arith.index_cast %mul3A_169 : i32 to index
      %swap3A_173 = tpu.vector_load %arg6[%swap3A_171, %swap3A_172] {strides = array<i32>} : memref<16x2048xf32, #tpu.memory_space<vmem>>, vector<1x16xf32>,
      %swap3A_174 = vector.shape_cast %swap3A_173 : vector<1x16xf32> to vector<16xf32>
      %swap3A_175 = vector.shape_cast %broadcast_in_dim3A_167 : vector<16xf32> to vector<1x16xf32>
      tpu.vector_store %arg6[%swap3A_171, %swap3A_172], %swap3A_175 {strides = array<i32>} : memref<16x2048xf32, #tpu.memory_space<vmem>>, vector<1x16xf32>,
      %broadcast_in_dim3A_176 = arith.constant 0.000000e+00 : f32
      %broadcast_in_dim3A_177 = vector.broadcast %broadcast_in_dim3A_176 : f32 to vector<16xf32>
      %mul3A_178 = arith.constant 16 : i32
      %mul3A_179 = arith.muli %scan3A_47, %mul3A_178 : i32
      %swap3A_180 = arith.constant 13 : i32
      %swap3A_181 = arith.index_cast %swap3A_180 : i32 to index
      %swap3A_182 = arith.index_cast %mul3A_179 : i32 to index
      %swap3A_183 = tpu.vector_load %arg6[%swap3A_181, %swap3A_182] {strides = array<i32>} : memref<16x2048xf32, #tpu.memory_space<vmem>>, vector<1x16xf32>,
      %swap3A_184 = vector.shape_cast %swap3A_183 : vector<1x16xf32> to vector<16xf32>
      %swap3A_185 = vector.shape_cast %broadcast_in_dim3A_177 : vector<16xf32> to vector<1x16xf32>
      tpu.vector_store %arg6[%swap3A_181, %swap3A_182], %swap3A_185 {strides = array<i32>} : memref<16x2048xf32, #tpu.memory_space<vmem>>, vector<1x16xf32>,
      %broadcast_in_dim3A_186 = arith.constant 0.000000e+00 : f32
      %broadcast_in_dim3A_187 = vector.broadcast %broadcast_in_dim3A_186 : f32 to vector<16xf32>
      %mul3A_188 = arith.constant 16 : i32
      %mul3A_189 = arith.muli %scan3A_47, %mul3A_188 : i32
      %swap3A_190 = arith.constant 14 : i32
      %swap3A_191 = arith.index_cast %swap3A_190 : i32 to index
      %swap3A_192 = arith.index_cast %mul3A_189 : i32 to index
      %swap3A_193 = tpu.vector_load %arg6[%swap3A_191, %swap3A_192] {strides = array<i32>} : memref<16x2048xf32, #tpu.memory_space<vmem>>, vector<1x16xf32>,
      %swap3A_194 = vector.shape_cast %swap3A_193 : vector<1x16xf32> to vector<16xf32>
      %swap3A_195 = vector.shape_cast %broadcast_in_dim3A_187 : vector<16xf32> to vector<1x16xf32>
      tpu.vector_store %arg6[%swap3A_191, %swap3A_192], %swap3A_195 {strides = array<i32>} : memref<16x2048xf32, #tpu.memory_space<vmem>>, vector<1x16xf32>,
      %broadcast_in_dim3A_196 = arith.constant 0.000000e+00 : f32
      %broadcast_in_dim3A_197 = vector.broadcast %broadcast_in_dim3A_196 : f32 to vector<16xf32>
      %mul3A_198 = arith.constant 16 : i32
      %mul3A_199 = arith.muli %scan3A_47, %mul3A_198 : i32
      %swap3A_200 = arith.constant 15 : i32
      %swap3A_201 = arith.index_cast %swap3A_200 : i32 to index
      %swap3A_202 = arith.index_cast %mul3A_199 : i32 to index
      %swap3A_203 = tpu.vector_load %arg6[%swap3A_201, %swap3A_202] {strides = array<i32>} : memref<16x2048xf32, #tpu.memory_space<vmem>>, vector<1x16xf32>,
      %swap3A_204 = vector.shape_cast %swap3A_203 : vector<1x16xf32> to vector<16xf32>
      %swap3A_205 = vector.shape_cast %broadcast_in_dim3A_197 : vector<16xf32> to vector<1x16xf32>
      tpu.vector_store %arg6[%swap3A_201, %swap3A_202], %swap3A_205 {strides = array<i32>} : memref<16x2048xf32, #tpu.memory_space<vmem>>, vector<1x16xf32>,
    }
    %scan3A_35 = arith.constant 128 : i32
    %mul3A_36 = arith.constant 2176 : i32
    %mul3A_37 = arith.muli %select_n3A, %mul3A_36 : i32
    %mul3A_38 = arith.constant 16 : i32
    %mul3A_39 = arith.muli %select_n3A_30, %mul3A_38 : i32
    %add3A_40 = arith.addi %mul3A_37, %mul3A_39 : i32
    %dma_start3A = arith.constant 0 : i32
    %dma_start3A_41 = tpu.memref_slice %arg4[%add3A_40, %dma_start3A] : memref<8704x2048xf32, #tpu.memory_space<hbm>> -> memref<16x2048xf32, #tpu.memory_space<hbm>>
    %dma_start3A_42 = arith.constant 0 : i32
    %dma_start3A_43 = tpu.memref_slice %arg4[%add3A_40, %dma_start3A_42] : memref<8704x2048xf32, #tpu.memory_space<hbm>> -> memref<16x2048xf32, #tpu.memory_space<hbm>>
    tpu.enqueue_dma source(%arg6 : memref<16x2048xf32, #tpu.memory_space<vmem>>) target(%dma_start3A_43 : memref<16x2048xf32, #tpu.memory_space<hbm>>) target_semaphore(%arg8 : memref<!tpu.dma_semaphore, #tpu.memory_space<semaphore_mem>>)
    %dma_wait3A = arith.constant 0 : i32
    %dma_wait3A_44 = tpu.memref_slice %arg4[%add3A_40, %dma_wait3A] : memref<8704x2048xf32, #tpu.memory_space<hbm>> -> memref<16x2048xf32, #tpu.memory_space<hbm>>
    %dma_wait3A_45 = arith.constant 0 : i32
    %dma_wait3A_46 = tpu.memref_slice %arg4[%add3A_40, %dma_wait3A_45] : memref<8704x2048xf32, #tpu.memory_space<hbm>> -> memref<16x2048xf32, #tpu.memory_space<hbm>>
    tpu.wait_dma2 semaphore(%arg8 : memref<!tpu.dma_semaphore, #tpu.memory_space<semaphore_mem>>) src(%arg6 : memref<16x2048xf32, #tpu.memory_space<vmem>>) dst(%dma_wait3A_46 : memref<16x2048xf32, #tpu.memory_space<hbm>>)
    return
  }
}

module attributes {stable_mosaic.version = 14 : i64} {
  func.func @body(%arg0: memref<8704x2048xf32, #tpu.memory_space<any>>, %arg1: memref<8192x2048xf32, #tpu.memory_space<any>>, %arg2: memref<8704x2048xf32, #tpu.memory_space<any>>, %arg3: memref<4x1024x2048xf32, #tpu.memory_space<vmem>>, %arg4: memref<4x!tpu.dma_semaphore, #tpu.memory_space<semaphore_mem>>, %arg5: memref<4x!tpu.dma_semaphore, #tpu.memory_space<semaphore_mem>>) attributes {dimension_semantics = [], scalar_prefetch = 0 : i64, scratch_operands = 3 : i64, tpu.core_type = #tpu.core_type<tc>} {
    %dma_start3A = arith.constant 0 : i32
    %dma_start3A_0 = arith.constant 0 : i32
    %dma_start3A_1 = tpu.memref_slice %arg4[%dma_start3A_0] : memref<4x!tpu.dma_semaphore, #tpu.memory_space<semaphore_mem>> -> memref<1x!tpu.dma_semaphore, #tpu.memory_space<semaphore_mem>>
    %dma_start3A_2 = tpu.memref_squeeze %dma_start3A_1 : memref<1x!tpu.dma_semaphore, #tpu.memory_space<semaphore_mem>> -> memref<!tpu.dma_semaphore, #tpu.memory_space<semaphore_mem>>
    %dma_start3A_3 = arith.constant 0 : i32
    %dma_start3A_4 = arith.constant 0 : i32
    %dma_start3A_5 = tpu.memref_slice %arg3[%dma_start3A, %dma_start3A_3, %dma_start3A_4] : memref<4x1024x2048xf32, #tpu.memory_space<vmem>> -> memref<1x1024x2048xf32, #tpu.memory_space<vmem>>
    %dma_start3A_6 = tpu.memref_squeeze %dma_start3A_5 : memref<1x1024x2048xf32, #tpu.memory_space<vmem>> -> memref<1024x2048xf32, #tpu.memory_space<vmem>>
    %dma_start3A_7 = arith.constant 0 : i32
    %dma_start3A_8 = arith.constant 0 : i32
    %dma_start3A_9 = tpu.memref_slice %arg1[%dma_start3A_7, %dma_start3A_8] : memref<8192x2048xf32, #tpu.memory_space<any>> -> memref<1024x2048xf32, #tpu.memory_space<any>>
    tpu.enqueue_dma source(%dma_start3A_9 : memref<1024x2048xf32, #tpu.memory_space<any>>) target(%dma_start3A_6 : memref<1024x2048xf32, #tpu.memory_space<vmem>>) target_semaphore(%dma_start3A_2 : memref<!tpu.dma_semaphore, #tpu.memory_space<semaphore_mem>>)
    %dma_start3A_10 = arith.constant 1 : i32
    %dma_start3A_11 = arith.constant 1 : i32
    %dma_start3A_12 = tpu.memref_slice %arg4[%dma_start3A_11] : memref<4x!tpu.dma_semaphore, #tpu.memory_space<semaphore_mem>> -> memref<1x!tpu.dma_semaphore, #tpu.memory_space<semaphore_mem>>
    %dma_start3A_13 = tpu.memref_squeeze %dma_start3A_12 : memref<1x!tpu.dma_semaphore, #tpu.memory_space<semaphore_mem>> -> memref<!tpu.dma_semaphore, #tpu.memory_space<semaphore_mem>>
    %dma_start3A_14 = arith.constant 0 : i32
    %dma_start3A_15 = arith.constant 0 : i32
    %dma_start3A_16 = tpu.memref_slice %arg3[%dma_start3A_10, %dma_start3A_14, %dma_start3A_15] : memref<4x1024x2048xf32, #tpu.memory_space<vmem>> -> memref<1x1024x2048xf32, #tpu.memory_space<vmem>>
    %dma_start3A_17 = tpu.memref_squeeze %dma_start3A_16 : memref<1x1024x2048xf32, #tpu.memory_space<vmem>> -> memref<1024x2048xf32, #tpu.memory_space<vmem>>
    %dma_start3A_18 = arith.constant 1024 : i32
    %dma_start3A_19 = arith.constant 0 : i32
    %dma_start3A_20 = tpu.memref_slice %arg1[%dma_start3A_18, %dma_start3A_19] : memref<8192x2048xf32, #tpu.memory_space<any>> -> memref<1024x2048xf32, #tpu.memory_space<any>>
    tpu.enqueue_dma source(%dma_start3A_20 : memref<1024x2048xf32, #tpu.memory_space<any>>) target(%dma_start3A_17 : memref<1024x2048xf32, #tpu.memory_space<vmem>>) target_semaphore(%dma_start3A_13 : memref<!tpu.dma_semaphore, #tpu.memory_space<semaphore_mem>>)
    %dma_wait3A = arith.constant 0 : i32
    %dma_wait3A_21 = arith.constant 0 : i32
    %dma_wait3A_22 = tpu.memref_slice %arg4[%dma_wait3A_21] : memref<4x!tpu.dma_semaphore, #tpu.memory_space<semaphore_mem>> -> memref<1x!tpu.dma_semaphore, #tpu.memory_space<semaphore_mem>>
    %dma_wait3A_23 = tpu.memref_squeeze %dma_wait3A_22 : memref<1x!tpu.dma_semaphore, #tpu.memory_space<semaphore_mem>> -> memref<!tpu.dma_semaphore, #tpu.memory_space<semaphore_mem>>
    %dma_wait3A_24 = arith.constant 0 : i32
    %dma_wait3A_25 = arith.constant 0 : i32
    %dma_wait3A_26 = tpu.memref_slice %arg3[%dma_wait3A, %dma_wait3A_24, %dma_wait3A_25] : memref<4x1024x2048xf32, #tpu.memory_space<vmem>> -> memref<1x1024x2048xf32, #tpu.memory_space<vmem>>
    %dma_wait3A_27 = tpu.memref_squeeze %dma_wait3A_26 : memref<1x1024x2048xf32, #tpu.memory_space<vmem>> -> memref<1024x2048xf32, #tpu.memory_space<vmem>>
    %dma_wait3A_28 = arith.constant 0 : i32
    %dma_wait3A_29 = arith.constant 0 : i32
    %dma_wait3A_30 = tpu.memref_slice %arg1[%dma_wait3A_28, %dma_wait3A_29] : memref<8192x2048xf32, #tpu.memory_space<any>> -> memref<1024x2048xf32, #tpu.memory_space<any>>
    tpu.wait_dma2 semaphore(%dma_wait3A_23 : memref<!tpu.dma_semaphore, #tpu.memory_space<semaphore_mem>>) src(%dma_wait3A_30 : memref<1024x2048xf32, #tpu.memory_space<any>>) dst(%dma_wait3A_27 : memref<1024x2048xf32, #tpu.memory_space<vmem>>)
    %dma_start3A_31 = arith.constant 0 : i32
    %dma_start3A_32 = arith.constant 0 : i32
    %dma_start3A_33 = tpu.memref_slice %arg5[%dma_start3A_32] : memref<4x!tpu.dma_semaphore, #tpu.memory_space<semaphore_mem>> -> memref<1x!tpu.dma_semaphore, #tpu.memory_space<semaphore_mem>>
    %dma_start3A_34 = tpu.memref_squeeze %dma_start3A_33 : memref<1x!tpu.dma_semaphore, #tpu.memory_space<semaphore_mem>> -> memref<!tpu.dma_semaphore, #tpu.memory_space<semaphore_mem>>
    %dma_start3A_35 = arith.constant 128 : i32
    %dma_start3A_36 = arith.constant 0 : i32
    %dma_start3A_37 = tpu.memref_slice %arg2[%dma_start3A_35, %dma_start3A_36] : memref<8704x2048xf32, #tpu.memory_space<any>> -> memref<1024x2048xf32, #tpu.memory_space<any>>
    %dma_start3A_38 = arith.constant 0 : i32
    %dma_start3A_39 = arith.constant 0 : i32
    %dma_start3A_40 = tpu.memref_slice %arg3[%dma_start3A_31, %dma_start3A_38, %dma_start3A_39] : memref<4x1024x2048xf32, #tpu.memory_space<vmem>> -> memref<1x1024x2048xf32, #tpu.memory_space<vmem>>
    %dma_start3A_41 = tpu.memref_squeeze %dma_start3A_40 : memref<1x1024x2048xf32, #tpu.memory_space<vmem>> -> memref<1024x2048xf32, #tpu.memory_space<vmem>>
    tpu.enqueue_dma source(%dma_start3A_41 : memref<1024x2048xf32, #tpu.memory_space<vmem>>) target(%dma_start3A_37 : memref<1024x2048xf32, #tpu.memory_space<any>>) target_semaphore(%dma_start3A_34 : memref<!tpu.dma_semaphore, #tpu.memory_space<semaphore_mem>>)
    %dma_start3A_42 = arith.constant 2 : i32
    %dma_start3A_43 = arith.constant 2 : i32
    %dma_start3A_44 = tpu.memref_slice %arg4[%dma_start3A_43] : memref<4x!tpu.dma_semaphore, #tpu.memory_space<semaphore_mem>> -> memref<1x!tpu.dma_semaphore, #tpu.memory_space<semaphore_mem>>
    %dma_start3A_45 = tpu.memref_squeeze %dma_start3A_44 : memref<1x!tpu.dma_semaphore, #tpu.memory_space<semaphore_mem>> -> memref<!tpu.dma_semaphore, #tpu.memory_space<semaphore_mem>>
    %dma_start3A_46 = arith.constant 0 : i32
    %dma_start3A_47 = arith.constant 0 : i32
    %dma_start3A_48 = tpu.memref_slice %arg3[%dma_start3A_42, %dma_start3A_46, %dma_start3A_47] : memref<4x1024x2048xf32, #tpu.memory_space<vmem>> -> memref<1x1024x2048xf32, #tpu.memory_space<vmem>>
    %dma_start3A_49 = tpu.memref_squeeze %dma_start3A_48 : memref<1x1024x2048xf32, #tpu.memory_space<vmem>> -> memref<1024x2048xf32, #tpu.memory_space<vmem>>
    %dma_start3A_50 = arith.constant 2048 : i32
    %dma_start3A_51 = arith.constant 0 : i32
    %dma_start3A_52 = tpu.memref_slice %arg1[%dma_start3A_50, %dma_start3A_51] : memref<8192x2048xf32, #tpu.memory_space<any>> -> memref<1024x2048xf32, #tpu.memory_space<any>>
    tpu.enqueue_dma source(%dma_start3A_52 : memref<1024x2048xf32, #tpu.memory_space<any>>) target(%dma_start3A_49 : memref<1024x2048xf32, #tpu.memory_space<vmem>>) target_semaphore(%dma_start3A_45 : memref<!tpu.dma_semaphore, #tpu.memory_space<semaphore_mem>>)
    %dma_wait3A_53 = arith.constant 1 : i32
    %dma_wait3A_54 = arith.constant 1 : i32
    %dma_wait3A_55 = tpu.memref_slice %arg4[%dma_wait3A_54] : memref<4x!tpu.dma_semaphore, #tpu.memory_space<semaphore_mem>> -> memref<1x!tpu.dma_semaphore, #tpu.memory_space<semaphore_mem>>
    %dma_wait3A_56 = tpu.memref_squeeze %dma_wait3A_55 : memref<1x!tpu.dma_semaphore, #tpu.memory_space<semaphore_mem>> -> memref<!tpu.dma_semaphore, #tpu.memory_space<semaphore_mem>>
    %dma_wait3A_57 = arith.constant 0 : i32
    %dma_wait3A_58 = arith.constant 0 : i32
    %dma_wait3A_59 = tpu.memref_slice %arg3[%dma_wait3A_53, %dma_wait3A_57, %dma_wait3A_58] : memref<4x1024x2048xf32, #tpu.memory_space<vmem>> -> memref<1x1024x2048xf32, #tpu.memory_space<vmem>>
    %dma_wait3A_60 = tpu.memref_squeeze %dma_wait3A_59 : memref<1x1024x2048xf32, #tpu.memory_space<vmem>> -> memref<1024x2048xf32, #tpu.memory_space<vmem>>
    %dma_wait3A_61 = arith.constant 1024 : i32
    %dma_wait3A_62 = arith.constant 0 : i32
    %dma_wait3A_63 = tpu.memref_slice %arg1[%dma_wait3A_61, %dma_wait3A_62] : memref<8192x2048xf32, #tpu.memory_space<any>> -> memref<1024x2048xf32, #tpu.memory_space<any>>
    tpu.wait_dma2 semaphore(%dma_wait3A_56 : memref<!tpu.dma_semaphore, #tpu.memory_space<semaphore_mem>>) src(%dma_wait3A_63 : memref<1024x2048xf32, #tpu.memory_space<any>>) dst(%dma_wait3A_60 : memref<1024x2048xf32, #tpu.memory_space<vmem>>)
    %dma_start3A_64 = arith.constant 1 : i32
    %dma_start3A_65 = arith.constant 1 : i32
    %dma_start3A_66 = tpu.memref_slice %arg5[%dma_start3A_65] : memref<4x!tpu.dma_semaphore, #tpu.memory_space<semaphore_mem>> -> memref<1x!tpu.dma_semaphore, #tpu.memory_space<semaphore_mem>>
    %dma_start3A_67 = tpu.memref_squeeze %dma_start3A_66 : memref<1x!tpu.dma_semaphore, #tpu.memory_space<semaphore_mem>> -> memref<!tpu.dma_semaphore, #tpu.memory_space<semaphore_mem>>
    %dma_start3A_68 = arith.constant 1152 : i32
    %dma_start3A_69 = arith.constant 0 : i32
    %dma_start3A_70 = tpu.memref_slice %arg2[%dma_start3A_68, %dma_start3A_69] : memref<8704x2048xf32, #tpu.memory_space<any>> -> memref<1024x2048xf32, #tpu.memory_space<any>>
    %dma_start3A_71 = arith.constant 0 : i32
    %dma_start3A_72 = arith.constant 0 : i32
    %dma_start3A_73 = tpu.memref_slice %arg3[%dma_start3A_64, %dma_start3A_71, %dma_start3A_72] : memref<4x1024x2048xf32, #tpu.memory_space<vmem>> -> memref<1x1024x2048xf32, #tpu.memory_space<vmem>>
    %dma_start3A_74 = tpu.memref_squeeze %dma_start3A_73 : memref<1x1024x2048xf32, #tpu.memory_space<vmem>> -> memref<1024x2048xf32, #tpu.memory_space<vmem>>
    tpu.enqueue_dma source(%dma_start3A_74 : memref<1024x2048xf32, #tpu.memory_space<vmem>>) target(%dma_start3A_70 : memref<1024x2048xf32, #tpu.memory_space<any>>) target_semaphore(%dma_start3A_67 : memref<!tpu.dma_semaphore, #tpu.memory_space<semaphore_mem>>)
    %dma_start3A_75 = arith.constant 3 : i32
    %dma_start3A_76 = arith.constant 3 : i32
    %dma_start3A_77 = tpu.memref_slice %arg4[%dma_start3A_76] : memref<4x!tpu.dma_semaphore, #tpu.memory_space<semaphore_mem>> -> memref<1x!tpu.dma_semaphore, #tpu.memory_space<semaphore_mem>>
    %dma_start3A_78 = tpu.memref_squeeze %dma_start3A_77 : memref<1x!tpu.dma_semaphore, #tpu.memory_space<semaphore_mem>> -> memref<!tpu.dma_semaphore, #tpu.memory_space<semaphore_mem>>
    %dma_start3A_79 = arith.constant 0 : i32
    %dma_start3A_80 = arith.constant 0 : i32
    %dma_start3A_81 = tpu.memref_slice %arg3[%dma_start3A_75, %dma_start3A_79, %dma_start3A_80] : memref<4x1024x2048xf32, #tpu.memory_space<vmem>> -> memref<1x1024x2048xf32, #tpu.memory_space<vmem>>
    %dma_start3A_82 = tpu.memref_squeeze %dma_start3A_81 : memref<1x1024x2048xf32, #tpu.memory_space<vmem>> -> memref<1024x2048xf32, #tpu.memory_space<vmem>>
    %dma_start3A_83 = arith.constant 3072 : i32
    %dma_start3A_84 = arith.constant 0 : i32
    %dma_start3A_85 = tpu.memref_slice %arg1[%dma_start3A_83, %dma_start3A_84] : memref<8192x2048xf32, #tpu.memory_space<any>> -> memref<1024x2048xf32, #tpu.memory_space<any>>
    tpu.enqueue_dma source(%dma_start3A_85 : memref<1024x2048xf32, #tpu.memory_space<any>>) target(%dma_start3A_82 : memref<1024x2048xf32, #tpu.memory_space<vmem>>) target_semaphore(%dma_start3A_78 : memref<!tpu.dma_semaphore, #tpu.memory_space<semaphore_mem>>)
    %dma_wait3A_86 = arith.constant 2 : i32
    %dma_wait3A_87 = arith.constant 2 : i32
    %dma_wait3A_88 = tpu.memref_slice %arg4[%dma_wait3A_87] : memref<4x!tpu.dma_semaphore, #tpu.memory_space<semaphore_mem>> -> memref<1x!tpu.dma_semaphore, #tpu.memory_space<semaphore_mem>>
    %dma_wait3A_89 = tpu.memref_squeeze %dma_wait3A_88 : memref<1x!tpu.dma_semaphore, #tpu.memory_space<semaphore_mem>> -> memref<!tpu.dma_semaphore, #tpu.memory_space<semaphore_mem>>
    %dma_wait3A_90 = arith.constant 0 : i32
    %dma_wait3A_91 = arith.constant 0 : i32
    %dma_wait3A_92 = tpu.memref_slice %arg3[%dma_wait3A_86, %dma_wait3A_90, %dma_wait3A_91] : memref<4x1024x2048xf32, #tpu.memory_space<vmem>> -> memref<1x1024x2048xf32, #tpu.memory_space<vmem>>
    %dma_wait3A_93 = tpu.memref_squeeze %dma_wait3A_92 : memref<1x1024x2048xf32, #tpu.memory_space<vmem>> -> memref<1024x2048xf32, #tpu.memory_space<vmem>>
    %dma_wait3A_94 = arith.constant 2048 : i32
    %dma_wait3A_95 = arith.constant 0 : i32
    %dma_wait3A_96 = tpu.memref_slice %arg1[%dma_wait3A_94, %dma_wait3A_95] : memref<8192x2048xf32, #tpu.memory_space<any>> -> memref<1024x2048xf32, #tpu.memory_space<any>>
    tpu.wait_dma2 semaphore(%dma_wait3A_89 : memref<!tpu.dma_semaphore, #tpu.memory_space<semaphore_mem>>) src(%dma_wait3A_96 : memref<1024x2048xf32, #tpu.memory_space<any>>) dst(%dma_wait3A_93 : memref<1024x2048xf32, #tpu.memory_space<vmem>>)
    %dma_start3A_97 = arith.constant 2 : i32
    %dma_start3A_98 = arith.constant 2 : i32
    %dma_start3A_99 = tpu.memref_slice %arg5[%dma_start3A_98] : memref<4x!tpu.dma_semaphore, #tpu.memory_space<semaphore_mem>> -> memref<1x!tpu.dma_semaphore, #tpu.memory_space<semaphore_mem>>
    %dma_start3A_100 = tpu.memref_squeeze %dma_start3A_99 : memref<1x!tpu.dma_semaphore, #tpu.memory_space<semaphore_mem>> -> memref<!tpu.dma_semaphore, #tpu.memory_space<semaphore_mem>>
    %dma_start3A_101 = arith.constant 2304 : i32
    %dma_start3A_102 = arith.constant 0 : i32
    %dma_start3A_103 = tpu.memref_slice %arg2[%dma_start3A_101, %dma_start3A_102] : memref<8704x2048xf32, #tpu.memory_space<any>> -> memref<1024x2048xf32, #tpu.memory_space<any>>
    %dma_start3A_104 = arith.constant 0 : i32
    %dma_start3A_105 = arith.constant 0 : i32
    %dma_start3A_106 = tpu.memref_slice %arg3[%dma_start3A_97, %dma_start3A_104, %dma_start3A_105] : memref<4x1024x2048xf32, #tpu.memory_space<vmem>> -> memref<1x1024x2048xf32, #tpu.memory_space<vmem>>
    %dma_start3A_107 = tpu.memref_squeeze %dma_start3A_106 : memref<1x1024x2048xf32, #tpu.memory_space<vmem>> -> memref<1024x2048xf32, #tpu.memory_space<vmem>>
    tpu.enqueue_dma source(%dma_start3A_107 : memref<1024x2048xf32, #tpu.memory_space<vmem>>) target(%dma_start3A_103 : memref<1024x2048xf32, #tpu.memory_space<any>>) target_semaphore(%dma_start3A_100 : memref<!tpu.dma_semaphore, #tpu.memory_space<semaphore_mem>>)
    %dma_wait3A_108 = arith.constant 0 : i32
    %dma_wait3A_109 = arith.constant 0 : i32
    %dma_wait3A_110 = tpu.memref_slice %arg5[%dma_wait3A_109] : memref<4x!tpu.dma_semaphore, #tpu.memory_space<semaphore_mem>> -> memref<1x!tpu.dma_semaphore, #tpu.memory_space<semaphore_mem>>
    %dma_wait3A_111 = tpu.memref_squeeze %dma_wait3A_110 : memref<1x!tpu.dma_semaphore, #tpu.memory_space<semaphore_mem>> -> memref<!tpu.dma_semaphore, #tpu.memory_space<semaphore_mem>>
    %dma_wait3A_112 = arith.constant 128 : i32
    %dma_wait3A_113 = arith.constant 0 : i32
    %dma_wait3A_114 = tpu.memref_slice %arg2[%dma_wait3A_112, %dma_wait3A_113] : memref<8704x2048xf32, #tpu.memory_space<any>> -> memref<1024x2048xf32, #tpu.memory_space<any>>
    %dma_wait3A_115 = arith.constant 0 : i32
    %dma_wait3A_116 = arith.constant 0 : i32
    %dma_wait3A_117 = tpu.memref_slice %arg3[%dma_wait3A_108, %dma_wait3A_115, %dma_wait3A_116] : memref<4x1024x2048xf32, #tpu.memory_space<vmem>> -> memref<1x1024x2048xf32, #tpu.memory_space<vmem>>
    %dma_wait3A_118 = tpu.memref_squeeze %dma_wait3A_117 : memref<1x1024x2048xf32, #tpu.memory_space<vmem>> -> memref<1024x2048xf32, #tpu.memory_space<vmem>>
    tpu.wait_dma2 semaphore(%dma_wait3A_111 : memref<!tpu.dma_semaphore, #tpu.memory_space<semaphore_mem>>) src(%dma_wait3A_118 : memref<1024x2048xf32, #tpu.memory_space<vmem>>) dst(%dma_wait3A_114 : memref<1024x2048xf32, #tpu.memory_space<any>>)
    %dma_start3A_119 = arith.constant 0 : i32
    %dma_start3A_120 = arith.constant 0 : i32
    %dma_start3A_121 = tpu.memref_slice %arg4[%dma_start3A_120] : memref<4x!tpu.dma_semaphore, #tpu.memory_space<semaphore_mem>> -> memref<1x!tpu.dma_semaphore, #tpu.memory_space<semaphore_mem>>
    %dma_start3A_122 = tpu.memref_squeeze %dma_start3A_121 : memref<1x!tpu.dma_semaphore, #tpu.memory_space<semaphore_mem>> -> memref<!tpu.dma_semaphore, #tpu.memory_space<semaphore_mem>>
    %dma_start3A_123 = arith.constant 0 : i32
    %dma_start3A_124 = arith.constant 0 : i32
    %dma_start3A_125 = tpu.memref_slice %arg3[%dma_start3A_119, %dma_start3A_123, %dma_start3A_124] : memref<4x1024x2048xf32, #tpu.memory_space<vmem>> -> memref<1x1024x2048xf32, #tpu.memory_space<vmem>>
    %dma_start3A_126 = tpu.memref_squeeze %dma_start3A_125 : memref<1x1024x2048xf32, #tpu.memory_space<vmem>> -> memref<1024x2048xf32, #tpu.memory_space<vmem>>
    %dma_start3A_127 = arith.constant 4096 : i32
    %dma_start3A_128 = arith.constant 0 : i32
    %dma_start3A_129 = tpu.memref_slice %arg1[%dma_start3A_127, %dma_start3A_128] : memref<8192x2048xf32, #tpu.memory_space<any>> -> memref<1024x2048xf32, #tpu.memory_space<any>>
    tpu.enqueue_dma source(%dma_start3A_129 : memref<1024x2048xf32, #tpu.memory_space<any>>) target(%dma_start3A_126 : memref<1024x2048xf32, #tpu.memory_space<vmem>>) target_semaphore(%dma_start3A_122 : memref<!tpu.dma_semaphore, #tpu.memory_space<semaphore_mem>>)
    %dma_wait3A_130 = arith.constant 3 : i32
    %dma_wait3A_131 = arith.constant 3 : i32
    %dma_wait3A_132 = tpu.memref_slice %arg4[%dma_wait3A_131] : memref<4x!tpu.dma_semaphore, #tpu.memory_space<semaphore_mem>> -> memref<1x!tpu.dma_semaphore, #tpu.memory_space<semaphore_mem>>
    %dma_wait3A_133 = tpu.memref_squeeze %dma_wait3A_132 : memref<1x!tpu.dma_semaphore, #tpu.memory_space<semaphore_mem>> -> memref<!tpu.dma_semaphore, #tpu.memory_space<semaphore_mem>>
    %dma_wait3A_134 = arith.constant 0 : i32
    %dma_wait3A_135 = arith.constant 0 : i32
    %dma_wait3A_136 = tpu.memref_slice %arg3[%dma_wait3A_130, %dma_wait3A_134, %dma_wait3A_135] : memref<4x1024x2048xf32, #tpu.memory_space<vmem>> -> memref<1x1024x2048xf32, #tpu.memory_space<vmem>>
    %dma_wait3A_137 = tpu.memref_squeeze %dma_wait3A_136 : memref<1x1024x2048xf32, #tpu.memory_space<vmem>> -> memref<1024x2048xf32, #tpu.memory_space<vmem>>
    %dma_wait3A_138 = arith.constant 3072 : i32
    %dma_wait3A_139 = arith.constant 0 : i32
    %dma_wait3A_140 = tpu.memref_slice %arg1[%dma_wait3A_138, %dma_wait3A_139] : memref<8192x2048xf32, #tpu.memory_space<any>> -> memref<1024x2048xf32, #tpu.memory_space<any>>
    tpu.wait_dma2 semaphore(%dma_wait3A_133 : memref<!tpu.dma_semaphore, #tpu.memory_space<semaphore_mem>>) src(%dma_wait3A_140 : memref<1024x2048xf32, #tpu.memory_space<any>>) dst(%dma_wait3A_137 : memref<1024x2048xf32, #tpu.memory_space<vmem>>)
    %dma_start3A_141 = arith.constant 3 : i32
    %dma_start3A_142 = arith.constant 3 : i32
    %dma_start3A_143 = tpu.memref_slice %arg5[%dma_start3A_142] : memref<4x!tpu.dma_semaphore, #tpu.memory_space<semaphore_mem>> -> memref<1x!tpu.dma_semaphore, #tpu.memory_space<semaphore_mem>>
    %dma_start3A_144 = tpu.memref_squeeze %dma_start3A_143 : memref<1x!tpu.dma_semaphore, #tpu.memory_space<semaphore_mem>> -> memref<!tpu.dma_semaphore, #tpu.memory_space<semaphore_mem>>
    %dma_start3A_145 = arith.constant 3328 : i32
    %dma_start3A_146 = arith.constant 0 : i32
    %dma_start3A_147 = tpu.memref_slice %arg2[%dma_start3A_145, %dma_start3A_146] : memref<8704x2048xf32, #tpu.memory_space<any>> -> memref<1024x2048xf32, #tpu.memory_space<any>>
    %dma_start3A_148 = arith.constant 0 : i32
    %dma_start3A_149 = arith.constant 0 : i32
    %dma_start3A_150 = tpu.memref_slice %arg3[%dma_start3A_141, %dma_start3A_148, %dma_start3A_149] : memref<4x1024x2048xf32, #tpu.memory_space<vmem>> -> memref<1x1024x2048xf32, #tpu.memory_space<vmem>>
    %dma_start3A_151 = tpu.memref_squeeze %dma_start3A_150 : memref<1x1024x2048xf32, #tpu.memory_space<vmem>> -> memref<1024x2048xf32, #tpu.memory_space<vmem>>
    tpu.enqueue_dma source(%dma_start3A_151 : memref<1024x2048xf32, #tpu.memory_space<vmem>>) target(%dma_start3A_147 : memref<1024x2048xf32, #tpu.memory_space<any>>) target_semaphore(%dma_start3A_144 : memref<!tpu.dma_semaphore, #tpu.memory_space<semaphore_mem>>)
    %dma_wait3A_152 = arith.constant 1 : i32
    %dma_wait3A_153 = arith.constant 1 : i32
    %dma_wait3A_154 = tpu.memref_slice %arg5[%dma_wait3A_153] : memref<4x!tpu.dma_semaphore, #tpu.memory_space<semaphore_mem>> -> memref<1x!tpu.dma_semaphore, #tpu.memory_space<semaphore_mem>>
    %dma_wait3A_155 = tpu.memref_squeeze %dma_wait3A_154 : memref<1x!tpu.dma_semaphore, #tpu.memory_space<semaphore_mem>> -> memref<!tpu.dma_semaphore, #tpu.memory_space<semaphore_mem>>
    %dma_wait3A_156 = arith.constant 1152 : i32
    %dma_wait3A_157 = arith.constant 0 : i32
    %dma_wait3A_158 = tpu.memref_slice %arg2[%dma_wait3A_156, %dma_wait3A_157] : memref<8704x2048xf32, #tpu.memory_space<any>> -> memref<1024x2048xf32, #tpu.memory_space<any>>
    %dma_wait3A_159 = arith.constant 0 : i32
    %dma_wait3A_160 = arith.constant 0 : i32
    %dma_wait3A_161 = tpu.memref_slice %arg3[%dma_wait3A_152, %dma_wait3A_159, %dma_wait3A_160] : memref<4x1024x2048xf32, #tpu.memory_space<vmem>> -> memref<1x1024x2048xf32, #tpu.memory_space<vmem>>
    %dma_wait3A_162 = tpu.memref_squeeze %dma_wait3A_161 : memref<1x1024x2048xf32, #tpu.memory_space<vmem>> -> memref<1024x2048xf32, #tpu.memory_space<vmem>>
    tpu.wait_dma2 semaphore(%dma_wait3A_155 : memref<!tpu.dma_semaphore, #tpu.memory_space<semaphore_mem>>) src(%dma_wait3A_162 : memref<1024x2048xf32, #tpu.memory_space<vmem>>) dst(%dma_wait3A_158 : memref<1024x2048xf32, #tpu.memory_space<any>>)
    %dma_start3A_163 = arith.constant 1 : i32
    %dma_start3A_164 = arith.constant 1 : i32
    %dma_start3A_165 = tpu.memref_slice %arg4[%dma_start3A_164] : memref<4x!tpu.dma_semaphore, #tpu.memory_space<semaphore_mem>> -> memref<1x!tpu.dma_semaphore, #tpu.memory_space<semaphore_mem>>
    %dma_start3A_166 = tpu.memref_squeeze %dma_start3A_165 : memref<1x!tpu.dma_semaphore, #tpu.memory_space<semaphore_mem>> -> memref<!tpu.dma_semaphore, #tpu.memory_space<semaphore_mem>>
    %dma_start3A_167 = arith.constant 0 : i32
    %dma_start3A_168 = arith.constant 0 : i32
    %dma_start3A_169 = tpu.memref_slice %arg3[%dma_start3A_163, %dma_start3A_167, %dma_start3A_168] : memref<4x1024x2048xf32, #tpu.memory_space<vmem>> -> memref<1x1024x2048xf32, #tpu.memory_space<vmem>>
    %dma_start3A_170 = tpu.memref_squeeze %dma_start3A_169 : memref<1x1024x2048xf32, #tpu.memory_space<vmem>> -> memref<1024x2048xf32, #tpu.memory_space<vmem>>
    %dma_start3A_171 = arith.constant 5120 : i32
    %dma_start3A_172 = arith.constant 0 : i32
    %dma_start3A_173 = tpu.memref_slice %arg1[%dma_start3A_171, %dma_start3A_172] : memref<8192x2048xf32, #tpu.memory_space<any>> -> memref<1024x2048xf32, #tpu.memory_space<any>>
    tpu.enqueue_dma source(%dma_start3A_173 : memref<1024x2048xf32, #tpu.memory_space<any>>) target(%dma_start3A_170 : memref<1024x2048xf32, #tpu.memory_space<vmem>>) target_semaphore(%dma_start3A_166 : memref<!tpu.dma_semaphore, #tpu.memory_space<semaphore_mem>>)
    %dma_wait3A_174 = arith.constant 0 : i32
    %dma_wait3A_175 = arith.constant 0 : i32
    %dma_wait3A_176 = tpu.memref_slice %arg4[%dma_wait3A_175] : memref<4x!tpu.dma_semaphore, #tpu.memory_space<semaphore_mem>> -> memref<1x!tpu.dma_semaphore, #tpu.memory_space<semaphore_mem>>
    %dma_wait3A_177 = tpu.memref_squeeze %dma_wait3A_176 : memref<1x!tpu.dma_semaphore, #tpu.memory_space<semaphore_mem>> -> memref<!tpu.dma_semaphore, #tpu.memory_space<semaphore_mem>>
    %dma_wait3A_178 = arith.constant 0 : i32
    %dma_wait3A_179 = arith.constant 0 : i32
    %dma_wait3A_180 = tpu.memref_slice %arg3[%dma_wait3A_174, %dma_wait3A_178, %dma_wait3A_179] : memref<4x1024x2048xf32, #tpu.memory_space<vmem>> -> memref<1x1024x2048xf32, #tpu.memory_space<vmem>>
    %dma_wait3A_181 = tpu.memref_squeeze %dma_wait3A_180 : memref<1x1024x2048xf32, #tpu.memory_space<vmem>> -> memref<1024x2048xf32, #tpu.memory_space<vmem>>
    %dma_wait3A_182 = arith.constant 4096 : i32
    %dma_wait3A_183 = arith.constant 0 : i32
    %dma_wait3A_184 = tpu.memref_slice %arg1[%dma_wait3A_182, %dma_wait3A_183] : memref<8192x2048xf32, #tpu.memory_space<any>> -> memref<1024x2048xf32, #tpu.memory_space<any>>
    tpu.wait_dma2 semaphore(%dma_wait3A_177 : memref<!tpu.dma_semaphore, #tpu.memory_space<semaphore_mem>>) src(%dma_wait3A_184 : memref<1024x2048xf32, #tpu.memory_space<any>>) dst(%dma_wait3A_181 : memref<1024x2048xf32, #tpu.memory_space<vmem>>)
    %dma_start3A_185 = arith.constant 0 : i32
    %dma_start3A_186 = arith.constant 0 : i32
    %dma_start3A_187 = tpu.memref_slice %arg5[%dma_start3A_186] : memref<4x!tpu.dma_semaphore, #tpu.memory_space<semaphore_mem>> -> memref<1x!tpu.dma_semaphore, #tpu.memory_space<semaphore_mem>>
    %dma_start3A_188 = tpu.memref_squeeze %dma_start3A_187 : memref<1x!tpu.dma_semaphore, #tpu.memory_space<semaphore_mem>> -> memref<!tpu.dma_semaphore, #tpu.memory_space<semaphore_mem>>
    %dma_start3A_189 = arith.constant 4480 : i32
    %dma_start3A_190 = arith.constant 0 : i32
    %dma_start3A_191 = tpu.memref_slice %arg2[%dma_start3A_189, %dma_start3A_190] : memref<8704x2048xf32, #tpu.memory_space<any>> -> memref<1024x2048xf32, #tpu.memory_space<any>>
    %dma_start3A_192 = arith.constant 0 : i32
    %dma_start3A_193 = arith.constant 0 : i32
    %dma_start3A_194 = tpu.memref_slice %arg3[%dma_start3A_185, %dma_start3A_192, %dma_start3A_193] : memref<4x1024x2048xf32, #tpu.memory_space<vmem>> -> memref<1x1024x2048xf32, #tpu.memory_space<vmem>>
    %dma_start3A_195 = tpu.memref_squeeze %dma_start3A_194 : memref<1x1024x2048xf32, #tpu.memory_space<vmem>> -> memref<1024x2048xf32, #tpu.memory_space<vmem>>
    tpu.enqueue_dma source(%dma_start3A_195 : memref<1024x2048xf32, #tpu.memory_space<vmem>>) target(%dma_start3A_191 : memref<1024x2048xf32, #tpu.memory_space<any>>) target_semaphore(%dma_start3A_188 : memref<!tpu.dma_semaphore, #tpu.memory_space<semaphore_mem>>)
    %dma_wait3A_196 = arith.constant 2 : i32
    %dma_wait3A_197 = arith.constant 2 : i32
    %dma_wait3A_198 = tpu.memref_slice %arg5[%dma_wait3A_197] : memref<4x!tpu.dma_semaphore, #tpu.memory_space<semaphore_mem>> -> memref<1x!tpu.dma_semaphore, #tpu.memory_space<semaphore_mem>>
    %dma_wait3A_199 = tpu.memref_squeeze %dma_wait3A_198 : memref<1x!tpu.dma_semaphore, #tpu.memory_space<semaphore_mem>> -> memref<!tpu.dma_semaphore, #tpu.memory_space<semaphore_mem>>
    %dma_wait3A_200 = arith.constant 2304 : i32
    %dma_wait3A_201 = arith.constant 0 : i32
    %dma_wait3A_202 = tpu.memref_slice %arg2[%dma_wait3A_200, %dma_wait3A_201] : memref<8704x2048xf32, #tpu.memory_space<any>> -> memref<1024x2048xf32, #tpu.memory_space<any>>
    %dma_wait3A_203 = arith.constant 0 : i32
    %dma_wait3A_204 = arith.constant 0 : i32
    %dma_wait3A_205 = tpu.memref_slice %arg3[%dma_wait3A_196, %dma_wait3A_203, %dma_wait3A_204] : memref<4x1024x2048xf32, #tpu.memory_space<vmem>> -> memref<1x1024x2048xf32, #tpu.memory_space<vmem>>
    %dma_wait3A_206 = tpu.memref_squeeze %dma_wait3A_205 : memref<1x1024x2048xf32, #tpu.memory_space<vmem>> -> memref<1024x2048xf32, #tpu.memory_space<vmem>>
    tpu.wait_dma2 semaphore(%dma_wait3A_199 : memref<!tpu.dma_semaphore, #tpu.memory_space<semaphore_mem>>) src(%dma_wait3A_206 : memref<1024x2048xf32, #tpu.memory_space<vmem>>) dst(%dma_wait3A_202 : memref<1024x2048xf32, #tpu.memory_space<any>>)
    %dma_start3A_207 = arith.constant 2 : i32
    %dma_start3A_208 = arith.constant 2 : i32
    %dma_start3A_209 = tpu.memref_slice %arg4[%dma_start3A_208] : memref<4x!tpu.dma_semaphore, #tpu.memory_space<semaphore_mem>> -> memref<1x!tpu.dma_semaphore, #tpu.memory_space<semaphore_mem>>
    %dma_start3A_210 = tpu.memref_squeeze %dma_start3A_209 : memref<1x!tpu.dma_semaphore, #tpu.memory_space<semaphore_mem>> -> memref<!tpu.dma_semaphore, #tpu.memory_space<semaphore_mem>>
    %dma_start3A_211 = arith.constant 0 : i32
    %dma_start3A_212 = arith.constant 0 : i32
    %dma_start3A_213 = tpu.memref_slice %arg3[%dma_start3A_207, %dma_start3A_211, %dma_start3A_212] : memref<4x1024x2048xf32, #tpu.memory_space<vmem>> -> memref<1x1024x2048xf32, #tpu.memory_space<vmem>>
    %dma_start3A_214 = tpu.memref_squeeze %dma_start3A_213 : memref<1x1024x2048xf32, #tpu.memory_space<vmem>> -> memref<1024x2048xf32, #tpu.memory_space<vmem>>
    %dma_start3A_215 = arith.constant 6144 : i32
    %dma_start3A_216 = arith.constant 0 : i32
    %dma_start3A_217 = tpu.memref_slice %arg1[%dma_start3A_215, %dma_start3A_216] : memref<8192x2048xf32, #tpu.memory_space<any>> -> memref<1024x2048xf32, #tpu.memory_space<any>>
    tpu.enqueue_dma source(%dma_start3A_217 : memref<1024x2048xf32, #tpu.memory_space<any>>) target(%dma_start3A_214 : memref<1024x2048xf32, #tpu.memory_space<vmem>>) target_semaphore(%dma_start3A_210 : memref<!tpu.dma_semaphore, #tpu.memory_space<semaphore_mem>>)
    %dma_wait3A_218 = arith.constant 1 : i32
    %dma_wait3A_219 = arith.constant 1 : i32
    %dma_wait3A_220 = tpu.memref_slice %arg4[%dma_wait3A_219] : memref<4x!tpu.dma_semaphore, #tpu.memory_space<semaphore_mem>> -> memref<1x!tpu.dma_semaphore, #tpu.memory_space<semaphore_mem>>
    %dma_wait3A_221 = tpu.memref_squeeze %dma_wait3A_220 : memref<1x!tpu.dma_semaphore, #tpu.memory_space<semaphore_mem>> -> memref<!tpu.dma_semaphore, #tpu.memory_space<semaphore_mem>>
    %dma_wait3A_222 = arith.constant 0 : i32
    %dma_wait3A_223 = arith.constant 0 : i32
    %dma_wait3A_224 = tpu.memref_slice %arg3[%dma_wait3A_218, %dma_wait3A_222, %dma_wait3A_223] : memref<4x1024x2048xf32, #tpu.memory_space<vmem>> -> memref<1x1024x2048xf32, #tpu.memory_space<vmem>>
    %dma_wait3A_225 = tpu.memref_squeeze %dma_wait3A_224 : memref<1x1024x2048xf32, #tpu.memory_space<vmem>> -> memref<1024x2048xf32, #tpu.memory_space<vmem>>
    %dma_wait3A_226 = arith.constant 5120 : i32
    %dma_wait3A_227 = arith.constant 0 : i32
    %dma_wait3A_228 = tpu.memref_slice %arg1[%dma_wait3A_226, %dma_wait3A_227] : memref<8192x2048xf32, #tpu.memory_space<any>> -> memref<1024x2048xf32, #tpu.memory_space<any>>
    tpu.wait_dma2 semaphore(%dma_wait3A_221 : memref<!tpu.dma_semaphore, #tpu.memory_space<semaphore_mem>>) src(%dma_wait3A_228 : memref<1024x2048xf32, #tpu.memory_space<any>>) dst(%dma_wait3A_225 : memref<1024x2048xf32, #tpu.memory_space<vmem>>)
    %dma_start3A_229 = arith.constant 1 : i32
    %dma_start3A_230 = arith.constant 1 : i32
    %dma_start3A_231 = tpu.memref_slice %arg5[%dma_start3A_230] : memref<4x!tpu.dma_semaphore, #tpu.memory_space<semaphore_mem>> -> memref<1x!tpu.dma_semaphore, #tpu.memory_space<semaphore_mem>>
    %dma_start3A_232 = tpu.memref_squeeze %dma_start3A_231 : memref<1x!tpu.dma_semaphore, #tpu.memory_space<semaphore_mem>> -> memref<!tpu.dma_semaphore, #tpu.memory_space<semaphore_mem>>
    %dma_start3A_233 = arith.constant 5504 : i32
    %dma_start3A_234 = arith.constant 0 : i32
    %dma_start3A_235 = tpu.memref_slice %arg2[%dma_start3A_233, %dma_start3A_234] : memref<8704x2048xf32, #tpu.memory_space<any>> -> memref<1024x2048xf32, #tpu.memory_space<any>>
    %dma_start3A_236 = arith.constant 0 : i32
    %dma_start3A_237 = arith.constant 0 : i32
    %dma_start3A_238 = tpu.memref_slice %arg3[%dma_start3A_229, %dma_start3A_236, %dma_start3A_237] : memref<4x1024x2048xf32, #tpu.memory_space<vmem>> -> memref<1x1024x2048xf32, #tpu.memory_space<vmem>>
    %dma_start3A_239 = tpu.memref_squeeze %dma_start3A_238 : memref<1x1024x2048xf32, #tpu.memory_space<vmem>> -> memref<1024x2048xf32, #tpu.memory_space<vmem>>
    tpu.enqueue_dma source(%dma_start3A_239 : memref<1024x2048xf32, #tpu.memory_space<vmem>>) target(%dma_start3A_235 : memref<1024x2048xf32, #tpu.memory_space<any>>) target_semaphore(%dma_start3A_232 : memref<!tpu.dma_semaphore, #tpu.memory_space<semaphore_mem>>)
    %dma_wait3A_240 = arith.constant 3 : i32
    %dma_wait3A_241 = arith.constant 3 : i32
    %dma_wait3A_242 = tpu.memref_slice %arg5[%dma_wait3A_241] : memref<4x!tpu.dma_semaphore, #tpu.memory_space<semaphore_mem>> -> memref<1x!tpu.dma_semaphore, #tpu.memory_space<semaphore_mem>>
    %dma_wait3A_243 = tpu.memref_squeeze %dma_wait3A_242 : memref<1x!tpu.dma_semaphore, #tpu.memory_space<semaphore_mem>> -> memref<!tpu.dma_semaphore, #tpu.memory_space<semaphore_mem>>
    %dma_wait3A_244 = arith.constant 3328 : i32
    %dma_wait3A_245 = arith.constant 0 : i32
    %dma_wait3A_246 = tpu.memref_slice %arg2[%dma_wait3A_244, %dma_wait3A_245] : memref<8704x2048xf32, #tpu.memory_space<any>> -> memref<1024x2048xf32, #tpu.memory_space<any>>
    %dma_wait3A_247 = arith.constant 0 : i32
    %dma_wait3A_248 = arith.constant 0 : i32
    %dma_wait3A_249 = tpu.memref_slice %arg3[%dma_wait3A_240, %dma_wait3A_247, %dma_wait3A_248] : memref<4x1024x2048xf32, #tpu.memory_space<vmem>> -> memref<1x1024x2048xf32, #tpu.memory_space<vmem>>
    %dma_wait3A_250 = tpu.memref_squeeze %dma_wait3A_249 : memref<1x1024x2048xf32, #tpu.memory_space<vmem>> -> memref<1024x2048xf32, #tpu.memory_space<vmem>>
    tpu.wait_dma2 semaphore(%dma_wait3A_243 : memref<!tpu.dma_semaphore, #tpu.memory_space<semaphore_mem>>) src(%dma_wait3A_250 : memref<1024x2048xf32, #tpu.memory_space<vmem>>) dst(%dma_wait3A_246 : memref<1024x2048xf32, #tpu.memory_space<any>>)
    %dma_start3A_251 = arith.constant 3 : i32
    %dma_start3A_252 = arith.constant 3 : i32
    %dma_start3A_253 = tpu.memref_slice %arg4[%dma_start3A_252] : memref<4x!tpu.dma_semaphore, #tpu.memory_space<semaphore_mem>> -> memref<1x!tpu.dma_semaphore, #tpu.memory_space<semaphore_mem>>
    %dma_start3A_254 = tpu.memref_squeeze %dma_start3A_253 : memref<1x!tpu.dma_semaphore, #tpu.memory_space<semaphore_mem>> -> memref<!tpu.dma_semaphore, #tpu.memory_space<semaphore_mem>>
    %dma_start3A_255 = arith.constant 0 : i32
    %dma_start3A_256 = arith.constant 0 : i32
    %dma_start3A_257 = tpu.memref_slice %arg3[%dma_start3A_251, %dma_start3A_255, %dma_start3A_256] : memref<4x1024x2048xf32, #tpu.memory_space<vmem>> -> memref<1x1024x2048xf32, #tpu.memory_space<vmem>>
    %dma_start3A_258 = tpu.memref_squeeze %dma_start3A_257 : memref<1x1024x2048xf32, #tpu.memory_space<vmem>> -> memref<1024x2048xf32, #tpu.memory_space<vmem>>
    %dma_start3A_259 = arith.constant 7168 : i32
    %dma_start3A_260 = arith.constant 0 : i32
    %dma_start3A_261 = tpu.memref_slice %arg1[%dma_start3A_259, %dma_start3A_260] : memref<8192x2048xf32, #tpu.memory_space<any>> -> memref<1024x2048xf32, #tpu.memory_space<any>>
    tpu.enqueue_dma source(%dma_start3A_261 : memref<1024x2048xf32, #tpu.memory_space<any>>) target(%dma_start3A_258 : memref<1024x2048xf32, #tpu.memory_space<vmem>>) target_semaphore(%dma_start3A_254 : memref<!tpu.dma_semaphore, #tpu.memory_space<semaphore_mem>>)
    %dma_wait3A_262 = arith.constant 2 : i32
    %dma_wait3A_263 = arith.constant 2 : i32
    %dma_wait3A_264 = tpu.memref_slice %arg4[%dma_wait3A_263] : memref<4x!tpu.dma_semaphore, #tpu.memory_space<semaphore_mem>> -> memref<1x!tpu.dma_semaphore, #tpu.memory_space<semaphore_mem>>
    %dma_wait3A_265 = tpu.memref_squeeze %dma_wait3A_264 : memref<1x!tpu.dma_semaphore, #tpu.memory_space<semaphore_mem>> -> memref<!tpu.dma_semaphore, #tpu.memory_space<semaphore_mem>>
    %dma_wait3A_266 = arith.constant 0 : i32
    %dma_wait3A_267 = arith.constant 0 : i32
    %dma_wait3A_268 = tpu.memref_slice %arg3[%dma_wait3A_262, %dma_wait3A_266, %dma_wait3A_267] : memref<4x1024x2048xf32, #tpu.memory_space<vmem>> -> memref<1x1024x2048xf32, #tpu.memory_space<vmem>>
    %dma_wait3A_269 = tpu.memref_squeeze %dma_wait3A_268 : memref<1x1024x2048xf32, #tpu.memory_space<vmem>> -> memref<1024x2048xf32, #tpu.memory_space<vmem>>
    %dma_wait3A_270 = arith.constant 6144 : i32
    %dma_wait3A_271 = arith.constant 0 : i32
    %dma_wait3A_272 = tpu.memref_slice %arg1[%dma_wait3A_270, %dma_wait3A_271] : memref<8192x2048xf32, #tpu.memory_space<any>> -> memref<1024x2048xf32, #tpu.memory_space<any>>
    tpu.wait_dma2 semaphore(%dma_wait3A_265 : memref<!tpu.dma_semaphore, #tpu.memory_space<semaphore_mem>>) src(%dma_wait3A_272 : memref<1024x2048xf32, #tpu.memory_space<any>>) dst(%dma_wait3A_269 : memref<1024x2048xf32, #tpu.memory_space<vmem>>)
    %dma_start3A_273 = arith.constant 2 : i32
    %dma_start3A_274 = arith.constant 2 : i32
    %dma_start3A_275 = tpu.memref_slice %arg5[%dma_start3A_274] : memref<4x!tpu.dma_semaphore, #tpu.memory_space<semaphore_mem>> -> memref<1x!tpu.dma_semaphore, #tpu.memory_space<semaphore_mem>>
    %dma_start3A_276 = tpu.memref_squeeze %dma_start3A_275 : memref<1x!tpu.dma_semaphore, #tpu.memory_space<semaphore_mem>> -> memref<!tpu.dma_semaphore, #tpu.memory_space<semaphore_mem>>
    %dma_start3A_277 = arith.constant 6656 : i32
    %dma_start3A_278 = arith.constant 0 : i32
    %dma_start3A_279 = tpu.memref_slice %arg2[%dma_start3A_277, %dma_start3A_278] : memref<8704x2048xf32, #tpu.memory_space<any>> -> memref<1024x2048xf32, #tpu.memory_space<any>>
    %dma_start3A_280 = arith.constant 0 : i32
    %dma_start3A_281 = arith.constant 0 : i32
    %dma_start3A_282 = tpu.memref_slice %arg3[%dma_start3A_273, %dma_start3A_280, %dma_start3A_281] : memref<4x1024x2048xf32, #tpu.memory_space<vmem>> -> memref<1x1024x2048xf32, #tpu.memory_space<vmem>>
    %dma_start3A_283 = tpu.memref_squeeze %dma_start3A_282 : memref<1x1024x2048xf32, #tpu.memory_space<vmem>> -> memref<1024x2048xf32, #tpu.memory_space<vmem>>
    tpu.enqueue_dma source(%dma_start3A_283 : memref<1024x2048xf32, #tpu.memory_space<vmem>>) target(%dma_start3A_279 : memref<1024x2048xf32, #tpu.memory_space<any>>) target_semaphore(%dma_start3A_276 : memref<!tpu.dma_semaphore, #tpu.memory_space<semaphore_mem>>)
    %dma_wait3A_284 = arith.constant 3 : i32
    %dma_wait3A_285 = arith.constant 3 : i32
    %dma_wait3A_286 = tpu.memref_slice %arg4[%dma_wait3A_285] : memref<4x!tpu.dma_semaphore, #tpu.memory_space<semaphore_mem>> -> memref<1x!tpu.dma_semaphore, #tpu.memory_space<semaphore_mem>>
    %dma_wait3A_287 = tpu.memref_squeeze %dma_wait3A_286 : memref<1x!tpu.dma_semaphore, #tpu.memory_space<semaphore_mem>> -> memref<!tpu.dma_semaphore, #tpu.memory_space<semaphore_mem>>
    %dma_wait3A_288 = arith.constant 0 : i32
    %dma_wait3A_289 = arith.constant 0 : i32
    %dma_wait3A_290 = tpu.memref_slice %arg3[%dma_wait3A_284, %dma_wait3A_288, %dma_wait3A_289] : memref<4x1024x2048xf32, #tpu.memory_space<vmem>> -> memref<1x1024x2048xf32, #tpu.memory_space<vmem>>
    %dma_wait3A_291 = tpu.memref_squeeze %dma_wait3A_290 : memref<1x1024x2048xf32, #tpu.memory_space<vmem>> -> memref<1024x2048xf32, #tpu.memory_space<vmem>>
    %dma_wait3A_292 = arith.constant 7168 : i32
    %dma_wait3A_293 = arith.constant 0 : i32
    %dma_wait3A_294 = tpu.memref_slice %arg1[%dma_wait3A_292, %dma_wait3A_293] : memref<8192x2048xf32, #tpu.memory_space<any>> -> memref<1024x2048xf32, #tpu.memory_space<any>>
    tpu.wait_dma2 semaphore(%dma_wait3A_287 : memref<!tpu.dma_semaphore, #tpu.memory_space<semaphore_mem>>) src(%dma_wait3A_294 : memref<1024x2048xf32, #tpu.memory_space<any>>) dst(%dma_wait3A_291 : memref<1024x2048xf32, #tpu.memory_space<vmem>>)
    %dma_start3A_295 = arith.constant 3 : i32
    %dma_start3A_296 = arith.constant 3 : i32
    %dma_start3A_297 = tpu.memref_slice %arg5[%dma_start3A_296] : memref<4x!tpu.dma_semaphore, #tpu.memory_space<semaphore_mem>> -> memref<1x!tpu.dma_semaphore, #tpu.memory_space<semaphore_mem>>
    %dma_start3A_298 = tpu.memref_squeeze %dma_start3A_297 : memref<1x!tpu.dma_semaphore, #tpu.memory_space<semaphore_mem>> -> memref<!tpu.dma_semaphore, #tpu.memory_space<semaphore_mem>>
    %dma_start3A_299 = arith.constant 7680 : i32
    %dma_start3A_300 = arith.constant 0 : i32
    %dma_start3A_301 = tpu.memref_slice %arg2[%dma_start3A_299, %dma_start3A_300] : memref<8704x2048xf32, #tpu.memory_space<any>> -> memref<1024x2048xf32, #tpu.memory_space<any>>
    %dma_start3A_302 = arith.constant 0 : i32
    %dma_start3A_303 = arith.constant 0 : i32
    %dma_start3A_304 = tpu.memref_slice %arg3[%dma_start3A_295, %dma_start3A_302, %dma_start3A_303] : memref<4x1024x2048xf32, #tpu.memory_space<vmem>> -> memref<1x1024x2048xf32, #tpu.memory_space<vmem>>
    %dma_start3A_305 = tpu.memref_squeeze %dma_start3A_304 : memref<1x1024x2048xf32, #tpu.memory_space<vmem>> -> memref<1024x2048xf32, #tpu.memory_space<vmem>>
    tpu.enqueue_dma source(%dma_start3A_305 : memref<1024x2048xf32, #tpu.memory_space<vmem>>) target(%dma_start3A_301 : memref<1024x2048xf32, #tpu.memory_space<any>>) target_semaphore(%dma_start3A_298 : memref<!tpu.dma_semaphore, #tpu.memory_space<semaphore_mem>>)
    %dma_wait3A_306 = arith.constant 0 : i32
    %dma_wait3A_307 = arith.constant 0 : i32
    %dma_wait3A_308 = tpu.memref_slice %arg5[%dma_wait3A_307] : memref<4x!tpu.dma_semaphore, #tpu.memory_space<semaphore_mem>> -> memref<1x!tpu.dma_semaphore, #tpu.memory_space<semaphore_mem>>
    %dma_wait3A_309 = tpu.memref_squeeze %dma_wait3A_308 : memref<1x!tpu.dma_semaphore, #tpu.memory_space<semaphore_mem>> -> memref<!tpu.dma_semaphore, #tpu.memory_space<semaphore_mem>>
    %dma_wait3A_310 = arith.constant 4480 : i32
    %dma_wait3A_311 = arith.constant 0 : i32
    %dma_wait3A_312 = tpu.memref_slice %arg2[%dma_wait3A_310, %dma_wait3A_311] : memref<8704x2048xf32, #tpu.memory_space<any>> -> memref<1024x2048xf32, #tpu.memory_space<any>>
    %dma_wait3A_313 = arith.constant 0 : i32
    %dma_wait3A_314 = arith.constant 0 : i32
    %dma_wait3A_315 = tpu.memref_slice %arg3[%dma_wait3A_306, %dma_wait3A_313, %dma_wait3A_314] : memref<4x1024x2048xf32, #tpu.memory_space<vmem>> -> memref<1x1024x2048xf32, #tpu.memory_space<vmem>>
    %dma_wait3A_316 = tpu.memref_squeeze %dma_wait3A_315 : memref<1x1024x2048xf32, #tpu.memory_space<vmem>> -> memref<1024x2048xf32, #tpu.memory_space<vmem>>
    tpu.wait_dma2 semaphore(%dma_wait3A_309 : memref<!tpu.dma_semaphore, #tpu.memory_space<semaphore_mem>>) src(%dma_wait3A_316 : memref<1024x2048xf32, #tpu.memory_space<vmem>>) dst(%dma_wait3A_312 : memref<1024x2048xf32, #tpu.memory_space<any>>)
    %dma_wait3A_317 = arith.constant 1 : i32
    %dma_wait3A_318 = arith.constant 1 : i32
    %dma_wait3A_319 = tpu.memref_slice %arg5[%dma_wait3A_318] : memref<4x!tpu.dma_semaphore, #tpu.memory_space<semaphore_mem>> -> memref<1x!tpu.dma_semaphore, #tpu.memory_space<semaphore_mem>>
    %dma_wait3A_320 = tpu.memref_squeeze %dma_wait3A_319 : memref<1x!tpu.dma_semaphore, #tpu.memory_space<semaphore_mem>> -> memref<!tpu.dma_semaphore, #tpu.memory_space<semaphore_mem>>
    %dma_wait3A_321 = arith.constant 5504 : i32
    %dma_wait3A_322 = arith.constant 0 : i32
    %dma_wait3A_323 = tpu.memref_slice %arg2[%dma_wait3A_321, %dma_wait3A_322] : memref<8704x2048xf32, #tpu.memory_space<any>> -> memref<1024x2048xf32, #tpu.memory_space<any>>
    %dma_wait3A_324 = arith.constant 0 : i32
    %dma_wait3A_325 = arith.constant 0 : i32
    %dma_wait3A_326 = tpu.memref_slice %arg3[%dma_wait3A_317, %dma_wait3A_324, %dma_wait3A_325] : memref<4x1024x2048xf32, #tpu.memory_space<vmem>> -> memref<1x1024x2048xf32, #tpu.memory_space<vmem>>
    %dma_wait3A_327 = tpu.memref_squeeze %dma_wait3A_326 : memref<1x1024x2048xf32, #tpu.memory_space<vmem>> -> memref<1024x2048xf32, #tpu.memory_space<vmem>>
    tpu.wait_dma2 semaphore(%dma_wait3A_320 : memref<!tpu.dma_semaphore, #tpu.memory_space<semaphore_mem>>) src(%dma_wait3A_327 : memref<1024x2048xf32, #tpu.memory_space<vmem>>) dst(%dma_wait3A_323 : memref<1024x2048xf32, #tpu.memory_space<any>>)
    %dma_wait3A_328 = arith.constant 2 : i32
    %dma_wait3A_329 = arith.constant 2 : i32
    %dma_wait3A_330 = tpu.memref_slice %arg5[%dma_wait3A_329] : memref<4x!tpu.dma_semaphore, #tpu.memory_space<semaphore_mem>> -> memref<1x!tpu.dma_semaphore, #tpu.memory_space<semaphore_mem>>
    %dma_wait3A_331 = tpu.memref_squeeze %dma_wait3A_330 : memref<1x!tpu.dma_semaphore, #tpu.memory_space<semaphore_mem>> -> memref<!tpu.dma_semaphore, #tpu.memory_space<semaphore_mem>>
    %dma_wait3A_332 = arith.constant 6656 : i32
    %dma_wait3A_333 = arith.constant 0 : i32
    %dma_wait3A_334 = tpu.memref_slice %arg2[%dma_wait3A_332, %dma_wait3A_333] : memref<8704x2048xf32, #tpu.memory_space<any>> -> memref<1024x2048xf32, #tpu.memory_space<any>>
    %dma_wait3A_335 = arith.constant 0 : i32
    %dma_wait3A_336 = arith.constant 0 : i32
    %dma_wait3A_337 = tpu.memref_slice %arg3[%dma_wait3A_328, %dma_wait3A_335, %dma_wait3A_336] : memref<4x1024x2048xf32, #tpu.memory_space<vmem>> -> memref<1x1024x2048xf32, #tpu.memory_space<vmem>>
    %dma_wait3A_338 = tpu.memref_squeeze %dma_wait3A_337 : memref<1x1024x2048xf32, #tpu.memory_space<vmem>> -> memref<1024x2048xf32, #tpu.memory_space<vmem>>
    tpu.wait_dma2 semaphore(%dma_wait3A_331 : memref<!tpu.dma_semaphore, #tpu.memory_space<semaphore_mem>>) src(%dma_wait3A_338 : memref<1024x2048xf32, #tpu.memory_space<vmem>>) dst(%dma_wait3A_334 : memref<1024x2048xf32, #tpu.memory_space<any>>)
    %dma_wait3A_339 = arith.constant 3 : i32
    %dma_wait3A_340 = arith.constant 3 : i32
    %dma_wait3A_341 = tpu.memref_slice %arg5[%dma_wait3A_340] : memref<4x!tpu.dma_semaphore, #tpu.memory_space<semaphore_mem>> -> memref<1x!tpu.dma_semaphore, #tpu.memory_space<semaphore_mem>>
    %dma_wait3A_342 = tpu.memref_squeeze %dma_wait3A_341 : memref<1x!tpu.dma_semaphore, #tpu.memory_space<semaphore_mem>> -> memref<!tpu.dma_semaphore, #tpu.memory_space<semaphore_mem>>
    %dma_wait3A_343 = arith.constant 7680 : i32
    %dma_wait3A_344 = arith.constant 0 : i32
    %dma_wait3A_345 = tpu.memref_slice %arg2[%dma_wait3A_343, %dma_wait3A_344] : memref<8704x2048xf32, #tpu.memory_space<any>> -> memref<1024x2048xf32, #tpu.memory_space<any>>
    %dma_wait3A_346 = arith.constant 0 : i32
    %dma_wait3A_347 = arith.constant 0 : i32
    %dma_wait3A_348 = tpu.memref_slice %arg3[%dma_wait3A_339, %dma_wait3A_346, %dma_wait3A_347] : memref<4x1024x2048xf32, #tpu.memory_space<vmem>> -> memref<1x1024x2048xf32, #tpu.memory_space<vmem>>
    %dma_wait3A_349 = tpu.memref_squeeze %dma_wait3A_348 : memref<1x1024x2048xf32, #tpu.memory_space<vmem>> -> memref<1024x2048xf32, #tpu.memory_space<vmem>>
    tpu.wait_dma2 semaphore(%dma_wait3A_342 : memref<!tpu.dma_semaphore, #tpu.memory_space<semaphore_mem>>) src(%dma_wait3A_349 : memref<1024x2048xf32, #tpu.memory_space<vmem>>) dst(%dma_wait3A_345 : memref<1024x2048xf32, #tpu.memory_space<any>>)
    return
  }
}

</mosaic_0001>

<sc_bundles>
// kernel: branch_0_fun.3.cloned.1.call-start
scs
__scs_entry_jumppad:
0x0: {  	(pc) =	sbr.rel $0x88, $3  }
0x1: {  	(tag) =	ssettag $0x0;
	lr =	simm.s32 $0x1  }
0x2: {  	[smem:$0x3F9D] =	sst lr;
	_ =	strace $0xD0000000  }
0x3: {  	_ = 	snop  }
0x4: {  	_ = 	snop  }
0x5: {  	_ = 	snop  }
0x6: {  	_ = 	snop  }
0x7: {  	_ = 	snop  }
__scs_overlays_trampoline_lowered:
0x8: {  	[smem:$0x3FAC] =	sst s0  }
0x9: {  	[smem:$0x3FAD] =	sst s1  }
0xa: {  	[smem:$0x3FAE] =	sst s2  }
0xb: {  	[smem:$0x3FAF] =	sst s3  }
0xc: {  	[smem:$0x3FB0] =	sst s4  }
0xd: {  	[smem:$0x3FB1] =	sst s5  }
0xe: {  	[smem:$0x3FB2] =	sst s6  }
0xf: {  	[smem:$0x3FB3] =	sst s7  }
0x10: {  	[smem:$0x3FB4] =	sst s8  }
0x11: {  	[smem:$0x3FB5] =	sst s9;
	s0 =	simm.s32 @!p0 $0x0  }
0x12: {  	s1 =	sld [smem:$0x3F9B];
	s0 =	simm.s32 @p0 $0x1  }
0x13: {  	[smem:$0x3FB6] =	sst s0;
	s0 =	simm.s32 @!p1 $0x0  }
0x14: {  	s2 =	sld [smem:$0x3F9A];
	s0 =	simm.s32 @p1 $0x1  }
0x15: {  	[smem:$0x3FB7] =	sst s0;
	s0 =	simm.s32 @!p2 $0x0  }
0x16: {  	s3 =	sld [smem:$0x3FDB];
	s0 =	simm.s32 @p2 $0x1  }
0x17: {  	s4 =	simm.s32 $0x1BF5;
	[smem:$0x3FB9] =	sst s0  }
0x18: {  	s0 =	sld [smem:$0x3F9C];
	_ =	swait.ge [sflag:s4], $0x0  }
0x19: {  	s7 =	sld [smem:$0x3F9D]  }
0x1a: {  	s8 =	sadd.s32 $0xFFFFE003, lr  }
0x1b: {  	s9 =	sadd.s32 $0xFFFFFEF7, lr;
	s5 =	simm.s32 $0xFFFFFFFF;
	p2 =	slt.u32 s8, $0xFFFFF086  }
0x1c: {  	p1 =	slt.u32 s9, $0xF7A;
	s5 =	simm.s32 @!p2 $0x0  }
0x1d: {  	s5 =	simm.s32 @p1 $0x1;
	p0 =	seq.s32 s7, s2  }
0x1e: {  	s7 =	smul.u32 @!p0 $0xF7A, s2;
	p2 =	seq.s32 @!p0 s5, $0x0  }
0x1f: {  	s9 =	smul.u32 $0xF7A, s1;
	s8 =	simm.s32 @!p0 $0x1BF5;
	p2 =	por !p2, p0  }
0x20: {  	[sflag:s8] =	ssyncset.s32 @!p0 $0xFFFFF086;
	s6 =	sadd.s32 @!p0 s3, s7;
	s7 =	simm.s32 @!p0 $0x108  }
0x21: {  	s3 =	sadd.s32 s3, s9;
	s6 =	sadd.s32 @!p0 $0x88, s6;
	s7 =	simm.s32 @p2 $0x1082  }
0x22: {  	[simem:s7], [sflag:s8] =	dma.local @!p0 [hbm:s6], $0xF7A  }
0x23: {  	s9 =	sor.u32 $0xD0000000, s2;
	s6 =	simm.s32 $0x108;
	_ =	swait.ge @!p0 [sflag:s8], $0x0  }
0x24: {  	s3 =	sadd.s32 $0x88, s3;
	s6 =	simm.s32 @!p1 $0x1082;
	[sflag:s4] =	ssyncset.s32 $0xFFFFF086  }
0x25: {  	[simem:s6], [sflag:s4] =	dma.local [hbm:s3], $0xF7A  }
0x26: {  	[smem:$0x3F9D] =	sst s1;
	(tag) =	ssettag s2;
	_ =	strace s9  }
0x27: {  	s1 =	sld [smem:$0x3FAD]  }
0x28: {  	s2 =	sld [smem:$0x3FAE]  }
0x29: {  	s4 =	sld [smem:$0x3FB0]  }
0x2a: {  	p0 =	seq.s32 s5, $0x0;
	s5 =	sld [smem:$0x3FB1]  }
0x2b: {  	s6 =	sld [smem:$0x3FB2]  }
0x2c: {  	s7 =	sld [smem:$0x3FB3]  }
0x2d: {  	s3 =	simm.s32 $0x108;
	s8 =	sld [smem:$0x3FB4]  }
0x2e: {  	s3 =	simm.s32 @!p0 $0x1082;
	s9 =	sld [smem:$0x3FB5]  }
0x2f: {  	lr =	sadd.s32 s0, s3;
	s0 =	sld [smem:$0x3FAC]  }
0x30: {  	s3 =	sld [smem:$0x3FAF]  }
0x31: {  	[smem:$0x3FB8] =	sst s10  }
0x32: {  	s10 =	sld [smem:$0x3FB6];
	_ =	sdelay $0x3  }
0x33: {  	p0 =	seq.s32 s10, $0x1;
	s10 =	sld [smem:$0x3FB8];
	_ =	sdelay $0x3  }
0x34: {  	[smem:$0x3FB8] =	sst s10  }
0x35: {  	s10 =	sld [smem:$0x3FB7];
	_ =	sdelay $0x3  }
0x36: {  	p1 =	seq.s32 s10, $0x1;
	s10 =	sld [smem:$0x3FB8];
	_ =	sdelay $0x3  }
0x37: {  	[smem:$0x3FB8] =	sst s10  }
0x38: {  	s10 =	sld [smem:$0x3FB9]  }
0x39: {  	_ = 	snop;
	(pc) =	sbr.ind lr, $3  }
0x3a: {  	_ = 	snop  }
0x3b: {  	_ = 	snop  }
0x3c: {  	p2 =	seq.s32 s10, $0x1;
	s10 =	sld [smem:$0x3FB8]  }
0x3d: {  	_ =	shalt  }
0x3e: {  	_ =	shalt  }
0x3f: {  	_ =	shalt  }
0x40: {  	_ =	shalt  }
0x41: {  	_ =	shalt  }
0x42: {  	_ =	shalt  }
0x43: {  	_ =	shalt  }
0x44: {  	_ =	shalt  }
0x45: {  	_ =	shalt  }
0x46: {  	_ =	shalt  }
0x47: {  	_ =	shalt  }
0x48: {  	_ =	shalt  }
0x49: {  	_ =	shalt  }
0x4a: {  	_ =	shalt  }
0x4b: {  	_ =	shalt  }
0x4c: {  	_ =	shalt  }
0x4d: {  	_ =	shalt  }
0x4e: {  	_ =	shalt  }
0x4f: {  	_ =	shalt  }
0x50: {  	_ =	shalt  }
0x51: {  	_ =	shalt  }
0x52: {  	_ =	shalt  }
0x53: {  	_ =	shalt  }
0x54: {  	_ =	shalt  }
0x55: {  	_ =	shalt  }
0x56: {  	_ =	shalt  }
0x57: {  	_ =	shalt  }
0x58: {  	_ =	shalt  }
0x59: {  	_ =	shalt  }
0x5a: {  	_ =	shalt  }
0x5b: {  	_ =	shalt  }
0x5c: {  	_ =	shalt  }
0x5d: {  	_ =	shalt  }
0x5e: {  	_ =	shalt  }
0x5f: {  	_ =	shalt  }
0x60: {  	_ =	shalt  }
0x61: {  	_ =	shalt  }
0x62: {  	_ =	shalt  }
0x63: {  	_ =	shalt  }
0x64: {  	_ =	shalt  }
0x65: {  	_ =	shalt  }
0x66: {  	_ =	shalt  }
0x67: {  	_ =	shalt  }
0x68: {  	_ =	shalt  }
0x69: {  	_ =	shalt  }
0x6a: {  	_ =	shalt  }
0x6b: {  	_ =	shalt  }
0x6c: {  	_ =	shalt  }
0x6d: {  	_ =	shalt  }
0x6e: {  	_ =	shalt  }
0x6f: {  	_ =	shalt  }
0x70: {  	_ =	shalt  }
0x71: {  	_ =	shalt  }
0x72: {  	_ =	shalt  }
0x73: {  	_ =	shalt  }
0x74: {  	_ =	shalt  }
0x75: {  	_ =	shalt  }
0x76: {  	_ =	shalt  }
0x77: {  	_ =	shalt  }
0x78: {  	_ =	shalt  }
0x79: {  	_ =	shalt  }
0x7a: {  	_ =	shalt  }
0x7b: {  	_ =	shalt  }
0x7c: {  	_ =	shalt  }
0x7d: {  	_ =	shalt  }
0x7e: {  	_ =	shalt  }
0x7f: {  	_ =	shalt  }
0x80: {  	_ =	shalt  }
0x81: {  	_ =	shalt  }
0x82: {  	_ =	shalt  }
0x83: {  	_ =	shalt  }
0x84: {  	_ =	shalt  }
0x85: {  	_ =	shalt  }
0x86: {  	_ =	shalt  }
0x87: {  	_ =	shalt  }
.Lfunc_end0:
.L_simem_size_0:
called_computation_lowered:
.L_overlay_start_0:
0x88: {  	s2 =	sld [smem:$0x3FD9]  }
0x89: {  	s3 =	sld [smem:$0x3FFE];
	_ =	sdelay $0x1  }
0x8a: {  	s1 =	srdreg.scid  }
0x8b: {  	s0 =	sand.u32 $0x1, s1  }
0x8c: {  	s18 =	sshll.u32 s0, $0xA;
	s2 =	sadd.s32 s3, s2  }
0x8d: {  	s2 =	sadd.s32 s2, s18  }
0x8e: {  	[smem:$0x3FC4] =	sst s2  }
0x8f: {  	_ = 	snop  }
0x90: {  	s2 =	sld [smem:$0x3FD0];
	(tm) =	ssettm $0x1  }
0x91: {  	s19 =	sld [smem:$0x3FFB];
	_ =	sdelay $0x3  }
0x92: {  	_ =	strace s19  }
0x93: {  	s3 =	sld [smem:$0x3FFC];
	_ =	sdelay $0x3  }
0x94: {  	_ =	strace s3  }
0x95: {  	s3 =	sld [smem:$0x3FFD];
	_ =	sdelay $0x3  }
0x96: {  	_ =	strace s3  }
0x97: {  	_ =	strace $0x8FFFFFFF  }
0x98: {  	s20 =	sld [smem:$0x3FDB];
	_ =	sdelay $0x1  }
0x99: {  	s4 =	simm.s32 $_scs_section_size  }
0x9a: {  	s5 =	simm.s32 $_size__tile_overlayer_lowered;
	s6 =	simm.s32 $_tile_overlayer_lowered  }
0x9b: {  	s23 =	simm.s32 $0x1BFF;
	s22 =	sshll.u32 s6, $0x1;
	s3 =	sadd.s32 s4, s20  }
0x9c: {  	s7 =	simm.s32 $0x0;
	s21 =	sshll.u32 s5, $0x1;
	s5 =	sadd.s32 s22, s3  }
0x9d: {  	[timem:s7], [sflag:s23] =	dma.local [hbm:s5], s21  }
0x9e: {  	_ =	swait.ge [sflag:s23], s21  }
0x9f: {  	s4 =	ssub.s32 $0x0, s21;
	[sflag:s23] =	ssyncset.done $0x0  }
0xa0: {  	[sflag:s23] =	ssyncadd.s32 s4;
	_ =	sdelay $0x1  }
0xa1: {  	s24 =	simm.s32 $0x1B8B  }
0xa2: {  	_ =	swait.ge [sflag:s24], $0x1  }
0xa3: {  	[sflag:s24] =	ssyncset.done $0x0  }
0xa4: {  	s25 =	simm.s32 $0x1B8E;
	[sflag:s24] =	ssyncadd.s32 $0xFFFFFFFF  }
0xa5: {  	s26 =	simm.s32 $execute0_lowered;
	[smem:$0x3FD2] =	sst s25  }
0xa6: {  	s4 =	sshll.u32 s26, $0x1;
	_ =	strace $0x80000046;
	[dreg:$0x1] =	wrdreg $0xFFFFFFFF  }
0xa7: {  	s28 =	simm.s32 $_size_execute0_lowered;
	s3 =	sadd.s32 s3, s4;
	[dreg:$0x0] =	wrdreg $0x0  }
0xa8: {  	s4 =	sshll.u32 s28, $0x1;
	[dreg:$0x2] =	wrdreg s3  }
0xa9: {  	[dreg:$0x3] =	wrdreg s4  }
0xaa: {  	[dreg:$0x4] =	wrdreg $0xC0  }
0xab: {  	_ =	task [dreg:s7], $0x5FFFF  }
0xac: {  	[dreg:$0x1] =	wrdreg $0xFFFFFFFF  }
0xad: {  	[dreg:$0x0] =	wrdreg $0x60  }
0xae: {  	[dreg:$0x2] =	wrdreg s2  }
0xaf: {  	[dreg:$0x3] =	wrdreg $0x9  }
0xb0: {  	_ =	task.clear_ibuf [dreg:s7], $0x4FFFF;
	_ =	strace $0x90000046  }
0xb1: {  	s29 =	simm.s32 $0x9;
	_ =	strace $0x80000048  }
0xb2: {  	_ =	swait.ge [sflag:s29], $0x1  }
0xb3: {  	[sflag:s29] =	ssyncadd.s32 $0xFFFFFFFF  }
0xb4: {  	_ =	strace $0x90000048  }
0xb5: {  	_ =	sfence  }
0xb6: {  	s30 =	sld [smem:$0x0];
	_ =	sdelay $0x2  }
0xb7: {  	s31 =	sshll.u32 s1, $0xD;
	s1 =	sshrl.u32 s1, $0x2  }
0xb8: {  	s3 =	sand.u32 $0x4000, s31;
	s1 =	sadd.s32 s1, s30  }
0xb9: {  	s0 =	sor.u32 s3, s0;
	s1 =	sshll.u32 s1, $0x11  }
0xba: {  	s0 =	sor.u32 s1, s0  }
0xbb: {  	s0 =	sadd.s32 $0x8F2B, s0  }
0xbc: {  	[sflag:s0] =	ssyncadd.remote.s32 $0x1  }
0xbd: {  	_ =	sfence.sel $0xFFFF  }
0xbe: {  	[dreg:$0x0] =	wrdreg $0xFFFFFFFF;
	(pc) =	sbr.abs _section_cstart, $3  }
0xbf: {  	[dreg:$0x1] =	wrdreg $0xFFFFFFFF  }
0xc0: {  	_ =	task.clear_ibuf [dreg:s7], $0x2FFFF;
	_ =	strace $0x9FFFFFFF  }
0xc1: {  	(tm) =	ssettm $0x7FFFFFFF  }
tec
execute0_lowered:
.L_overlay_start_1:
0x0: {  	(tag) =	ssettag $0x1  }
0x1: {  	s3 =	rddreg [dreg:$0x0]  }
0x2: {  	s0 =	rddreg [dreg:$0x1];
	s2 =	simm.s32 $0x0;
	s1 =	stileid.u32  }
0x3: {  	s4 =	srdreg.scid;
	s5 =	sshll.u32 s1, $0x1;
	s6 =	sshrl.u32 s1, $0x2  }
0x4: {  	s4 =	sand.u32 $0x1, s4;
	[smem:$0x7FF] =	sst s2;
	s5 =	sand.u32 $0x6, s5  }
0x5: {  	s6 =	smul.u32 $0x88000, s6;
	s7 =	ssub.s32 $0x2, s4;
	s4 =	sor.u32 s4, s5  }
0x6: {  	_ =	strace $0x80000047;
	s31 =	sshrl.u32 s7, $0x1;
	s4 =	sshll.u32 s4, $0xC  }
0x7: {  	s3 =	sadd.s32 s3, s6;
	s5 =	ssub.s32 s7, s31;
	s6 =	simm.s32 $0x0  }
0x8: {  	v0 =	vimm.f32 $0.0e+00;
	s3 =	sadd.s32 s4, s3;
	s4 =	smax.u32 s5, $0x1;
	s5 =	simm.s32 $0x1  }
.LBB2_1:
0x9: {  	s7 =	sand.u32 $0x70, s2;
	s8 =	sand.u32 $0x3C00, s2  }
0xa: {  	s7 =	sor.u32 s7, s8  }
0xb: {  	[tilespmem:s7+$0x80] =	vst v0  }
0xc: {  	[tilespmem:s7+$0x100] =	vst v0  }
0xd: {  	s11 =	sand.u32 $0x7, s2;
	[tilespmem:s7+$0x180] =	vst v0  }
0xe: {  	s9 =	simm.s32 $0x10;
	s10 =	simm.s32 $0x0;
	s8 =	simm.s32 $0x0;
	[tilespmem:s7+$0x200] =	vst v0  }
.LBB2_2:
0xf: {  	p0 =	sne.s32 s9, $0x7F0;
	s11 =	sshll.u32 s11, $0x4;
	[tilespmem:s7+$0x280] =	vst v0  }
0x10: {  	s11 =	sadd.s32 s11, s8;
	[tilespmem:s7+$0x300] =	vst v0  }
0x11: {  	[tilespmem:s7+$0x0] =	vst v0;
	s11 =	sor.u32 $0x380, s11  }
0x12: {  	[tilespmem:s11+$0x0] =	vst v0  }
0x13: {  	[tilespmem:s7+$0x4000] =	vst v0  }
0x14: {  	[tilespmem:s7+$0x4080] =	vst v0  }
0x15: {  	[tilespmem:s7+$0x4100] =	vst v0  }
0x16: {  	[tilespmem:s7+$0x4180] =	vst v0  }
0x17: {  	[tilespmem:s7+$0x4200] =	vst v0  }
0x18: {  	s8 =	sadd.s32 $0x80, s8;
	[tilespmem:s7+$0x4280] =	vst v0  }
0x19: {  	s12 =	sand.u32 $0x3C00, s8;
	s11 =	sand.u32 $0x70, s9;
	[tilespmem:s7+$0x4300] =	vst v0  }
.Ltmp0:
0x1a: {  	[tilespmem:s7+$0x4380] =	vst v0;
	s7 =	sor.u32 s11, s12;
	(pc) =	sbr.rel @p0 .LBB2_2-.Ltmp0, $4  }
0x1b: {  	[tilespmem:s7+$0x80] =	vst v0  }
0x1c: {  	[tilespmem:s7+$0x100] =	vst v0  }
0x1d: {  	s10 =	sadd.s32 $0x1, s10;
	[tilespmem:s7+$0x180] =	vst v0  }
0x1e: {  	s9 =	sadd.s32 $0x10, s9;
	s11 =	sand.u32 $0x7, s10;
	[tilespmem:s7+$0x200] =	vst v0  }
0x1f: {  	s9 =	sshll.u32 s11, $0x4;
	[tilespmem:s7+$0x280] =	vst v0  }
0x20: {  	[tilespmem:s7+$0x300] =	vst v0;
	s8 =	sadd.s32 s9, s8  }
0x21: {  	[tilespmem:s7+$0x0] =	vst v0;
	s8 =	sor.u32 $0x380, s8  }
0x22: {  	[tilespmem:s8+$0x0] =	vst v0  }
0x23: {  	[tilespmem:s7+$0x4000] =	vst v0  }
0x24: {  	[tilespmem:s7+$0x4080] =	vst v0  }
0x25: {  	[tilespmem:s7+$0x4100] =	vst v0  }
0x26: {  	[tilespmem:s7+$0x4180] =	vst v0  }
0x27: {  	[tilespmem:s7+$0x4200] =	vst v0  }
0x28: {  	s6 =	sadd.s32 $0x1, s6;
	[tilespmem:s7+$0x4280] =	vst v0  }
0x29: {  	p0 =	sne.s32 s6, s4;
	[tilespmem:s7+$0x4300] =	vst v0  }
.Ltmp1:
0x2a: {  	[tilespmem:s7+$0x4380] =	vst v0;
	(pc) =	sbr.rel @p0 .LBB2_1-.Ltmp1, $4  }
0x2b: {  	[hbm4b:s3+s2] =	stream.linear.scatter [tilespmem:s2], [sflag:$0x1], $0x8000, $0x38;
	[tilespmem:$0x8000] =	vst v63  }
0x2c: {  	_ =	swait.ge [sflag:s5], $0x8000  }
0x2d: {  	[sflag:s5] =	ssyncset.done $0x0  }
0x2e: {  	[sflag:s5] =	ssyncadd.s32 $0xFFFF8000  }
0x2f: {  	_ =	sfence.sel $0x180000  }
0x30: {  	[bflag:$0x0] =	sbarrier.arrive $0xFFFF  }
0x31: {  	p0 =	sne.s32 s1, $0x0;
	_ =	strace $0x90000047  }
0x32: {  	s0 =	sadd.s32 @!p0 $0x100000, s0;
	[bflag:$0x2] =	sbarrier.arrive $0xFFFF  }
0x33: {  	[sflag:s0] =	ssyncadd.tile.s32 @!p0 $0x1;
	_ =	shalt  }
.Lfunc_end2:
_tile_overlayer_lowered:
.L_overlay_start_2:
0x34: {  	(tag) =	ssettag $0x2  }
0x35: {  	s0 =	rddreg [dreg:$0x0];
	s2 =	stileid.u32  }
0x36: {  	s1 =	rddreg [dreg:$0x1];
	p0 =	sne.s32 s2, $0x0  }
0x37: {  	s3 =	rddreg [dreg:$0x2];
	[bflag:$0x3] =	sbarrier.arrive $0xFFFF;
	s2 =	simm.s32 @!p0 $0x1C02  }
0x38: {  	[timem:s3], [sflag:s2] =	dma.local @!p0 [hbm:s0], s1  }
0x39: {  	s0 =	simm.s32 @!p0 $0x2  }
0x3a: {  	_ =	swait.ge @!p0 [sflag:s0], s1  }
0x3b: {  	s1 =	ssub.s32 @!p0 $0x0, s1;
	[sflag:s0] =	ssyncset.done @!p0 $0x0  }
0x3c: {  	[sflag:s0] =	ssyncadd.s32 @!p0 s1  }
0x3d: {  	[bflag:$0x3] =	sbarrier.arrive $0xFFFF  }
0x3e: {  	_ =	shalt  }

// kernel: branch_1_fun.3.cloned.1.call-start
scs
__scs_entry_jumppad:
0x0: {  	(pc) =	sbr.rel $0x88, $3  }
0x1: {  	(tag) =	ssettag $0x0;
	lr =	simm.s32 $0x1  }
0x2: {  	[smem:$0x3F9D] =	sst lr;
	_ =	strace $0xD0000000  }
0x3: {  	_ = 	snop  }
0x4: {  	_ = 	snop  }
0x5: {  	_ = 	snop  }
0x6: {  	_ = 	snop  }
0x7: {  	_ = 	snop  }
__scs_overlays_trampoline_lowered:
0x8: {  	[smem:$0x3FAC] =	sst s0  }
0x9: {  	[smem:$0x3FAD] =	sst s1  }
0xa: {  	[smem:$0x3FAE] =	sst s2  }
0xb: {  	[smem:$0x3FAF] =	sst s3  }
0xc: {  	[smem:$0x3FB0] =	sst s4  }
0xd: {  	[smem:$0x3FB1] =	sst s5  }
0xe: {  	[smem:$0x3FB2] =	sst s6  }
0xf: {  	[smem:$0x3FB3] =	sst s7  }
0x10: {  	[smem:$0x3FB4] =	sst s8  }
0x11: {  	[smem:$0x3FB5] =	sst s9;
	s0 =	simm.s32 @!p0 $0x0  }
0x12: {  	s1 =	sld [smem:$0x3F9B];
	s0 =	simm.s32 @p0 $0x1  }
0x13: {  	[smem:$0x3FB6] =	sst s0;
	s0 =	simm.s32 @!p1 $0x0  }
0x14: {  	s2 =	sld [smem:$0x3F9A];
	s0 =	simm.s32 @p1 $0x1  }
0x15: {  	[smem:$0x3FB7] =	sst s0;
	s0 =	simm.s32 @!p2 $0x0  }
0x16: {  	s3 =	sld [smem:$0x3FDB];
	s0 =	simm.s32 @p2 $0x1  }
0x17: {  	s4 =	simm.s32 $0x1BF5;
	[smem:$0x3FB9] =	sst s0  }
0x18: {  	s0 =	sld [smem:$0x3F9C];
	_ =	swait.ge [sflag:s4], $0x0  }
0x19: {  	s7 =	sld [smem:$0x3F9D]  }
0x1a: {  	s8 =	sadd.s32 $0xFFFFE003, lr  }
0x1b: {  	s9 =	sadd.s32 $0xFFFFFEF7, lr;
	s5 =	simm.s32 $0xFFFFFFFF;
	p2 =	slt.u32 s8, $0xFFFFF086  }
0x1c: {  	p1 =	slt.u32 s9, $0xF7A;
	s5 =	simm.s32 @!p2 $0x0  }
0x1d: {  	s5 =	simm.s32 @p1 $0x1;
	p0 =	seq.s32 s7, s2  }
0x1e: {  	s7 =	smul.u32 @!p0 $0xF7A, s2;
	p2 =	seq.s32 @!p0 s5, $0x0  }
0x1f: {  	s9 =	smul.u32 $0xF7A, s1;
	s8 =	simm.s32 @!p0 $0x1BF5;
	p2 =	por !p2, p0  }
0x20: {  	[sflag:s8] =	ssyncset.s32 @!p0 $0xFFFFF086;
	s6 =	sadd.s32 @!p0 s3, s7;
	s7 =	simm.s32 @!p0 $0x108  }
0x21: {  	s3 =	sadd.s32 s3, s9;
	s6 =	sadd.s32 @!p0 $0x88, s6;
	s7 =	simm.s32 @p2 $0x1082  }
0x22: {  	[simem:s7], [sflag:s8] =	dma.local @!p0 [hbm:s6], $0xF7A  }
0x23: {  	s9 =	sor.u32 $0xD0000000, s2;
	s6 =	simm.s32 $0x108;
	_ =	swait.ge @!p0 [sflag:s8], $0x0  }
0x24: {  	s3 =	sadd.s32 $0x88, s3;
	s6 =	simm.s32 @!p1 $0x1082;
	[sflag:s4] =	ssyncset.s32 $0xFFFFF086  }
0x25: {  	[simem:s6], [sflag:s4] =	dma.local [hbm:s3], $0xF7A  }
0x26: {  	[smem:$0x3F9D] =	sst s1;
	(tag) =	ssettag s2;
	_ =	strace s9  }
0x27: {  	s1 =	sld [smem:$0x3FAD]  }
0x28: {  	s2 =	sld [smem:$0x3FAE]  }
0x29: {  	s4 =	sld [smem:$0x3FB0]  }
0x2a: {  	p0 =	seq.s32 s5, $0x0;
	s5 =	sld [smem:$0x3FB1]  }
0x2b: {  	s6 =	sld [smem:$0x3FB2]  }
0x2c: {  	s7 =	sld [smem:$0x3FB3]  }
0x2d: {  	s3 =	simm.s32 $0x108;
	s8 =	sld [smem:$0x3FB4]  }
0x2e: {  	s3 =	simm.s32 @!p0 $0x1082;
	s9 =	sld [smem:$0x3FB5]  }
0x2f: {  	lr =	sadd.s32 s0, s3;
	s0 =	sld [smem:$0x3FAC]  }
0x30: {  	s3 =	sld [smem:$0x3FAF]  }
0x31: {  	[smem:$0x3FB8] =	sst s10  }
0x32: {  	s10 =	sld [smem:$0x3FB6];
	_ =	sdelay $0x3  }
0x33: {  	p0 =	seq.s32 s10, $0x1;
	s10 =	sld [smem:$0x3FB8];
	_ =	sdelay $0x3  }
0x34: {  	[smem:$0x3FB8] =	sst s10  }
0x35: {  	s10 =	sld [smem:$0x3FB7];
	_ =	sdelay $0x3  }
0x36: {  	p1 =	seq.s32 s10, $0x1;
	s10 =	sld [smem:$0x3FB8];
	_ =	sdelay $0x3  }
0x37: {  	[smem:$0x3FB8] =	sst s10  }
0x38: {  	s10 =	sld [smem:$0x3FB9]  }
0x39: {  	_ = 	snop;
	(pc) =	sbr.ind lr, $3  }
0x3a: {  	_ = 	snop  }
0x3b: {  	_ = 	snop  }
0x3c: {  	p2 =	seq.s32 s10, $0x1;
	s10 =	sld [smem:$0x3FB8]  }
0x3d: {  	_ =	shalt  }
0x3e: {  	_ =	shalt  }
0x3f: {  	_ =	shalt  }
0x40: {  	_ =	shalt  }
0x41: {  	_ =	shalt  }
0x42: {  	_ =	shalt  }
0x43: {  	_ =	shalt  }
0x44: {  	_ =	shalt  }
0x45: {  	_ =	shalt  }
0x46: {  	_ =	shalt  }
0x47: {  	_ =	shalt  }
0x48: {  	_ =	shalt  }
0x49: {  	_ =	shalt  }
0x4a: {  	_ =	shalt  }
0x4b: {  	_ =	shalt  }
0x4c: {  	_ =	shalt  }
0x4d: {  	_ =	shalt  }
0x4e: {  	_ =	shalt  }
0x4f: {  	_ =	shalt  }
0x50: {  	_ =	shalt  }
0x51: {  	_ =	shalt  }
0x52: {  	_ =	shalt  }
0x53: {  	_ =	shalt  }
0x54: {  	_ =	shalt  }
0x55: {  	_ =	shalt  }
0x56: {  	_ =	shalt  }
0x57: {  	_ =	shalt  }
0x58: {  	_ =	shalt  }
0x59: {  	_ =	shalt  }
0x5a: {  	_ =	shalt  }
0x5b: {  	_ =	shalt  }
0x5c: {  	_ =	shalt  }
0x5d: {  	_ =	shalt  }
0x5e: {  	_ =	shalt  }
0x5f: {  	_ =	shalt  }
0x60: {  	_ =	shalt  }
0x61: {  	_ =	shalt  }
0x62: {  	_ =	shalt  }
0x63: {  	_ =	shalt  }
0x64: {  	_ =	shalt  }
0x65: {  	_ =	shalt  }
0x66: {  	_ =	shalt  }
0x67: {  	_ =	shalt  }
0x68: {  	_ =	shalt  }
0x69: {  	_ =	shalt  }
0x6a: {  	_ =	shalt  }
0x6b: {  	_ =	shalt  }
0x6c: {  	_ =	shalt  }
0x6d: {  	_ =	shalt  }
0x6e: {  	_ =	shalt  }
0x6f: {  	_ =	shalt  }
0x70: {  	_ =	shalt  }
0x71: {  	_ =	shalt  }
0x72: {  	_ =	shalt  }
0x73: {  	_ =	shalt  }
0x74: {  	_ =	shalt  }
0x75: {  	_ =	shalt  }
0x76: {  	_ =	shalt  }
0x77: {  	_ =	shalt  }
0x78: {  	_ =	shalt  }
0x79: {  	_ =	shalt  }
0x7a: {  	_ =	shalt  }
0x7b: {  	_ =	shalt  }
0x7c: {  	_ =	shalt  }
0x7d: {  	_ =	shalt  }
0x7e: {  	_ =	shalt  }
0x7f: {  	_ =	shalt  }
0x80: {  	_ =	shalt  }
0x81: {  	_ =	shalt  }
0x82: {  	_ =	shalt  }
0x83: {  	_ =	shalt  }
0x84: {  	_ =	shalt  }
0x85: {  	_ =	shalt  }
0x86: {  	_ =	shalt  }
0x87: {  	_ =	shalt  }
.Lfunc_end0:
.L_simem_size_0:
called_computation.1_lowered:
.L_overlay_start_0:
0x88: {  	s2 =	sld [smem:$0x3FD9]  }
0x89: {  	s3 =	sld [smem:$0x3FFE];
	_ =	sdelay $0x1  }
0x8a: {  	s1 =	srdreg.scid  }
0x8b: {  	s0 =	sand.u32 $0x1, s1  }
0x8c: {  	s17 =	sshll.u32 s0, $0xA;
	s2 =	sadd.s32 s3, s2  }
0x8d: {  	s2 =	sadd.s32 s2, s17  }
0x8e: {  	[smem:$0x3FC4] =	sst s2  }
0x8f: {  	_ = 	snop  }
0x90: {  	s2 =	sld [smem:$0x3FC6]  }
0x91: {  	s18 =	sld [smem:$0x3FD0];
	(tm) =	ssettm $0x1  }
0x92: {  	s4 =	sld [smem:$0x3FFB];
	_ =	sdelay $0x3  }
0x93: {  	_ =	strace s4  }
0x94: {  	s4 =	sld [smem:$0x3FFC];
	_ =	sdelay $0x3  }
0x95: {  	_ =	strace s4  }
0x96: {  	s4 =	sld [smem:$0x3FFD];
	_ =	sdelay $0x3  }
0x97: {  	_ =	strace s4  }
0x98: {  	_ =	strace $0x8FFFFFFF  }
0x99: {  	s19 =	sld [smem:$0x3FDB];
	_ =	sdelay $0x1  }
0x9a: {  	s5 =	simm.s32 $_scs_section_size  }
0x9b: {  	s6 =	simm.s32 $_size__tile_overlayer_lowered;
	s7 =	simm.s32 $_tile_overlayer_lowered  }
0x9c: {  	s22 =	simm.s32 $0x1BFF;
	s21 =	sshll.u32 s7, $0x1;
	s4 =	sadd.s32 s5, s19  }
0x9d: {  	s8 =	simm.s32 $0x0;
	s20 =	sshll.u32 s6, $0x1;
	s6 =	sadd.s32 s21, s4  }
0x9e: {  	[timem:s8], [sflag:s22] =	dma.local [hbm:s6], s20  }
0x9f: {  	_ =	swait.ge [sflag:s22], s20  }
0xa0: {  	s5 =	ssub.s32 $0x0, s20;
	[sflag:s22] =	ssyncset.done $0x0  }
0xa1: {  	[sflag:s22] =	ssyncadd.s32 s5;
	_ =	sdelay $0x1  }
0xa2: {  	s23 =	simm.s32 $0x1B8B  }
0xa3: {  	_ =	swait.ge [sflag:s23], $0x1  }
0xa4: {  	[sflag:s23] =	ssyncset.done $0x0  }
0xa5: {  	s25 =	simm.s32 $0x1B8E;
	s24 =	sld [smem:$0x3FFE];
	[sflag:s23] =	ssyncadd.s32 $0xFFFFFFFF  }
0xa6: {  	s26 =	simm.s32 $execute0_lowered;
	[smem:$0x3FD2] =	sst s25  }
0xa7: {  	s6 =	sshll.u32 s26, $0x1;
	_ =	strace $0x80000049;
	[dreg:$0x1] =	wrdreg $0xFFFFFFFF  }
0xa8: {  	s28 =	simm.s32 $_size_execute0_lowered;
	s4 =	sadd.s32 s4, s6;
	[dreg:$0x0] =	wrdreg $0x0  }
0xa9: {  	s6 =	sshll.u32 s28, $0x1;
	[dreg:$0x2] =	wrdreg s4  }
0xaa: {  	[dreg:$0x3] =	wrdreg s6  }
0xab: {  	[dreg:$0x4] =	wrdreg $0xC0  }
0xac: {  	_ =	task [dreg:s8], $0x5FFFF  }
0xad: {  	[dreg:$0x1] =	wrdreg $0xFFFFFFFF  }
0xae: {  	[dreg:$0x0] =	wrdreg $0x60  }
0xaf: {  	[dreg:$0x2] =	wrdreg s2  }
0xb0: {  	[dreg:$0x3] =	wrdreg s24  }
0xb1: {  	[dreg:$0x4] =	wrdreg s18  }
0xb2: {  	[dreg:$0x5] =	wrdreg $0x9  }
0xb3: {  	_ =	task.clear_ibuf [dreg:s8], $0x6FFFF;
	_ =	strace $0x90000049  }
0xb4: {  	s29 =	simm.s32 $0x9;
	_ =	strace $0x8000004B  }
0xb5: {  	_ =	swait.ge [sflag:s29], $0x1  }
0xb6: {  	[sflag:s29] =	ssyncadd.s32 $0xFFFFFFFF  }
0xb7: {  	_ =	strace $0x9000004B  }
0xb8: {  	_ =	sfence  }
0xb9: {  	s30 =	sld [smem:$0x0];
	_ =	sdelay $0x2  }
0xba: {  	s31 =	sshll.u32 s1, $0xD;
	s1 =	sshrl.u32 s1, $0x2  }
0xbb: {  	s3 =	sand.u32 $0x4000, s31;
	s1 =	sadd.s32 s1, s30  }
0xbc: {  	s0 =	sor.u32 s3, s0;
	s1 =	sshll.u32 s1, $0x11  }
0xbd: {  	s0 =	sor.u32 s1, s0  }
0xbe: {  	s0 =	sadd.s32 $0x8F2B, s0  }
0xbf: {  	[sflag:s0] =	ssyncadd.remote.s32 $0x1  }
0xc0: {  	_ =	sfence.sel $0xFFFF  }
0xc1: {  	[dreg:$0x0] =	wrdreg $0xFFFFFFFF;
	(pc) =	sbr.abs _section_cstart, $3  }
0xc2: {  	[dreg:$0x1] =	wrdreg $0xFFFFFFFF  }
0xc3: {  	_ =	task.clear_ibuf [dreg:s8], $0x2FFFF;
	_ =	strace $0x9FFFFFFF  }
0xc4: {  	(tm) =	ssettm $0x7FFFFFFF  }
0xc5: {  	_ =	shalt  }
tec
execute0_lowered:
.L_overlay_start_1:
0x0: {  	(tag) =	ssettag $0x1  }
0x1: {  	s3 =	rddreg [dreg:$0x0]  }
0x2: {  	s0 =	srdreg.scid;
	s1 =	rddreg [dreg:$0x1]  }
0x3: {  	s5 =	stileid.u32;
	s8 =	rddreg [dreg:$0x2]  }
0x4: {  	s31 =	simm.s32 $0x3;
	s20 =	simm.s32 $0x880;
	s21 =	simm.s32 $0x1080  }
0x5: {  	s22 =	simm.s32 $0x1880;
	s23 =	simm.s32 $0x2080;
	s19 =	simm.s32 $0x2880  }
0x6: {  	s13 =	simm.s32 $0x3080;
	s14 =	simm.s32 $0x3880;
	s15 =	simm.s32 $0x4080  }
0x7: {  	s16 =	simm.s32 $0x4880;
	s17 =	simm.s32 $0x5080;
	s18 =	simm.s32 $0x5880  }
0x8: {  	p0 =	por $0x0, $0x0;
	s24 =	simm.s32 $0x6080;
	s28 =	simm.s32 $0x7080  }
0x9: {  	s29 =	simm.s32 $0x7880;
	s30 =	simm.s32 $0x1;
	s0 =	sand.u32 $0x1, s0  }
0xa: {  	s2 =	sshll.u32 s5, $0x1;
	s26 =	sshrl.u32 s5, $0x2;
	s5 =	sadd.s32 $0x200, s3  }
0xb: {  	s6 =	sadd.s32 $0x300, s3;
	s9 =	sor.u32 s0, s2;
	s0 =	ssub.s32 $0x2, s0  }
0xc: {  	s2 =	simm.s32 $0x0;
	s4 =	sshll.u32 s9, $0x1;
	s25 =	sshrl.u32 s0, $0x1  }
0xd: {  	[smem:$0x7FF] =	sst s2;
	s1 =	sadd.s32 s4, s1;
	s0 =	ssub.s32 s0, s25  }
0xe: {  	_ =	strace $0x8000004A;
	s1 =	sadd.s32 $0x1400, s1;
	s0 =	smax.u32 s0, $0x1  }
0xf: {  	[dreg:$0x4] =	wrdreg s1;
	s1 =	smul.u32 $0x88000, s26;
	p1 =	sne.s32 s0, $0x1  }
.Ltmp0:
0x10: {  	s7 =	sadd.s32 $0x400, s3;
	s11 =	sadd.s32 $0x700, s3;
	(pc) =	sbr.rel @!p1 .LBB2_3-.Ltmp0, $4  }
0x11: {  	s10 =	sshll.u32 s9, $0xC;
	s9 =	sadd.s32 $0x500, s3;
	s4 =	sadd.s32 $0x100, s3  }
0x12: {  	v2 =	vlaneseq.u32;
	s12 =	sand.u32 $0x7000, s10;
	s10 =	sadd.s32 $0x600, s3;
	s1 =	sadd.s32 s8, s1  }
0x13: {  	vm0 =	vmmov $0xffff;
	v0 =	vshrl.u32 v2, $0x3;
	s25 =	simm.s32 $0x2;
	s26 =	simm.s32 $0x6880;
	s8 =	sadd.s32 s12, s1  }
0x14: {  	v1 =	vand.u32 $0x7, v2;
	v2 =	vor.u32 $0x8, v2;
	v0 =	vmul.u32 $0x8, v0;
	s12 =	simm.s32 $0x80;
	s1 =	sadd.s32 $0xFFFFFFFF, s0;
	s0 =	rddreg [dreg:$0x4]  }
0x15: {  	[tilespmem:s2], [sflag:$0x3] =	stream.linear.gather [hbm4b:s0+s2], $0x10, $0x38;
	[tilespmem:$0x8080] =	vst v63  }
0x16: {  	_ =	swait.ge [sflag:s31], $0x10  }
0x17: {  	[sflag:s31] =	ssyncset.done $0x0  }
0x18: {  	[sflag:s31] =	ssyncadd.s32 $0xFFFFFFF0  }
0x19: {  	v3 =	vld [tilespmem:$0x0];
	_ =	sdelay $0x4  }
0x1a: {  	v4 =	vshll.u32 v3, $0x4  }
0x1b: {  	v3 =	vand.u32 $0x7, v3;
	v4 =	vand.u32 $0xFFFFFF80, v4  }
0x1c: {  	v3 =	vor.u32 v3, v4  }
0x1d: {  	v4 =	vperm.xlane v3, v1;
	_ =	sdelay $0x1  }
0x1e: {  	v4 =	vadd.s32 v0, v4;
	_ =	sdelay $0x4  }
0x1f: {  	[tilespmem:s12], [sflag:$0x1] =	stream.indirect_vreg.gather [hbm4b:s3+s2], $0x80, v4, vm0, $0xb8;
	[tilespmem:$0x8080] =	vst v63  }
0x20: {  	_ = 	snop  }
0x21: {  	[tilespmem:s20], [sflag:$0x1] =	stream.indirect_vreg.gather [hbm4b:s4+s2], $0x80, v4, vm0, $0xb8;
	[tilespmem:$0x8080] =	vst v63  }
0x22: {  	_ = 	snop  }
0x23: {  	[tilespmem:s21], [sflag:$0x1] =	stream.indirect_vreg.gather [hbm4b:s5+s2], $0x80, v4, vm0, $0xb8;
	[tilespmem:$0x8080] =	vst v63  }
0x24: {  	_ = 	snop  }
0x25: {  	[tilespmem:s22], [sflag:$0x1] =	stream.indirect_vreg.gather [hbm4b:s6+s2], $0x80, v4, vm0, $0xb8;
	[tilespmem:$0x8080] =	vst v63  }
0x26: {  	_ = 	snop  }
0x27: {  	[tilespmem:s23], [sflag:$0x1] =	stream.indirect_vreg.gather [hbm4b:s7+s2], $0x80, v4, vm0, $0xb8;
	[tilespmem:$0x8080] =	vst v63  }
0x28: {  	v3 =	vperm.xlane v3, v2  }
0x29: {  	[tilespmem:s19], [sflag:$0x1] =	stream.indirect_vreg.gather [hbm4b:s9+s2], $0x80, v4, vm0, $0xb8;
	[tilespmem:$0x8080] =	vst v63  }
0x2a: {  	v3 =	vadd.s32 v0, v3  }
0x2b: {  	[tilespmem:s13], [sflag:$0x1] =	stream.indirect_vreg.gather [hbm4b:s10+s2], $0x80, v4, vm0, $0xb8;
	[tilespmem:$0x8080] =	vst v63  }
0x2c: {  	_ = 	snop  }
0x2d: {  	[tilespmem:s14], [sflag:$0x1] =	stream.indirect_vreg.gather [hbm4b:s11+s2], $0x80, v4, vm0, $0xb8;
	[tilespmem:$0x8080] =	vst v63  }
0x2e: {  	_ = 	snop  }
0x2f: {  	[tilespmem:s15], [sflag:$0x1] =	stream.indirect_vreg.gather [hbm4b:s3+s2], $0x80, v3, vm0, $0xb8;
	[tilespmem:$0x8080] =	vst v63  }
0x30: {  	_ = 	snop  }
0x31: {  	[tilespmem:s16], [sflag:$0x1] =	stream.indirect_vreg.gather [hbm4b:s4+s2], $0x80, v3, vm0, $0xb8;
	[tilespmem:$0x8080] =	vst v63  }
0x32: {  	_ = 	snop  }
0x33: {  	[tilespmem:s17], [sflag:$0x1] =	stream.indirect_vreg.gather [hbm4b:s5+s2], $0x80, v3, vm0, $0xb8;
	[tilespmem:$0x8080] =	vst v63  }
0x34: {  	_ = 	snop  }
0x35: {  	[tilespmem:s18], [sflag:$0x1] =	stream.indirect_vreg.gather [hbm4b:s6+s2], $0x80, v3, vm0, $0xb8;
	[tilespmem:$0x8080] =	vst v63  }
0x36: {  	_ = 	snop  }
0x37: {  	[tilespmem:s24], [sflag:$0x1] =	stream.indirect_vreg.gather [hbm4b:s7+s2], $0x80, v3, vm0, $0xb8;
	[tilespmem:$0x8080] =	vst v63  }
0x38: {  	_ = 	snop  }
0x39: {  	[tilespmem:s26], [sflag:$0x1] =	stream.indirect_vreg.gather [hbm4b:s9+s2], $0x80, v3, vm0, $0xb8;
	[tilespmem:$0x8080] =	vst v63  }
0x3a: {  	_ = 	snop  }
0x3b: {  	[tilespmem:s28], [sflag:$0x1] =	stream.indirect_vreg.gather [hbm4b:s10+s2], $0x80, v3, vm0, $0xb8;
	[tilespmem:$0x8080] =	vst v63  }
0x3c: {  	_ = 	snop  }
0x3d: {  	[tilespmem:s29], [sflag:$0x1] =	stream.indirect_vreg.gather [hbm4b:s11+s2], $0x80, v3, vm0, $0xb8;
	[tilespmem:$0x8080] =	vst v63  }
0x3e: {  	p1 =	sne.s32 s1, $0x1;
	_ =	swait.ge [sflag:s30], $0x8000  }
.Ltmp1:
0x3f: {  	[sflag:s30] =	ssyncset.done $0x0;
	(pc) =	sbr.rel @!p1 .LBB2_3-.Ltmp1, $4  }
0x40: {  	[sflag:s30] =	ssyncadd.s32 $0xFFFF8000  }
0x41: {  	[hbm4b:s8+s2] =	stream.linear.scatter [tilespmem:s12], [sflag:$0x2], $0x8000, $0x38;
	[tilespmem:$0x8080] =	vst v63  }
0x42: {  	s1 =	sadd.s32 $0xFFFFFFFF, s1;
	_ =	swait.ge [sflag:s25], $0x8000  }
0x43: {  	p0 =	por $0x1, $0x1;
	s0 =	rddreg [dreg:$0x4];
	[sflag:s25] =	ssyncset.done $0x0  }
.LBB2_2:
0x44: {  	[sflag:s25] =	ssyncadd.s32 $0xFFFF8000  }
0x45: {  	[tilespmem:s2], [sflag:$0x3] =	stream.linear.gather [hbm4b:s0+s2], $0x10, $0x38;
	[tilespmem:$0x8080] =	vst v63  }
0x46: {  	_ =	swait.ge [sflag:s31], $0x10  }
0x47: {  	[sflag:s31] =	ssyncset.done $0x0  }
0x48: {  	[sflag:s31] =	ssyncadd.s32 $0xFFFFFFF0  }
0x49: {  	v3 =	vld [tilespmem:$0x0];
	_ =	sdelay $0x4  }
0x4a: {  	v4 =	vshll.u32 v3, $0x4  }
0x4b: {  	v3 =	vand.u32 $0x7, v3;
	v4 =	vand.u32 $0xFFFFFF80, v4  }
0x4c: {  	v3 =	vor.u32 v3, v4  }
0x4d: {  	v4 =	vperm.xlane v3, v1;
	_ =	sdelay $0x1  }
0x4e: {  	v4 =	vadd.s32 v0, v4;
	_ =	sdelay $0x4  }
0x4f: {  	[tilespmem:s12], [sflag:$0x1] =	stream.indirect_vreg.gather [hbm4b:s3+s2], $0x80, v4, vm0, $0xb8;
	[tilespmem:$0x8080] =	vst v63  }
0x50: {  	_ = 	snop  }
0x51: {  	[tilespmem:s20], [sflag:$0x1] =	stream.indirect_vreg.gather [hbm4b:s4+s2], $0x80, v4, vm0, $0xb8;
	[tilespmem:$0x8080] =	vst v63  }
0x52: {  	_ = 	snop  }
0x53: {  	[tilespmem:s21], [sflag:$0x1] =	stream.indirect_vreg.gather [hbm4b:s5+s2], $0x80, v4, vm0, $0xb8;
	[tilespmem:$0x8080] =	vst v63  }
0x54: {  	_ = 	snop  }
0x55: {  	[tilespmem:s22], [sflag:$0x1] =	stream.indirect_vreg.gather [hbm4b:s6+s2], $0x80, v4, vm0, $0xb8;
	[tilespmem:$0x8080] =	vst v63  }
0x56: {  	_ = 	snop  }
0x57: {  	[tilespmem:s23], [sflag:$0x1] =	stream.indirect_vreg.gather [hbm4b:s7+s2], $0x80, v4, vm0, $0xb8;
	[tilespmem:$0x8080] =	vst v63  }
0x58: {  	v3 =	vperm.xlane v3, v2  }
0x59: {  	[tilespmem:s19], [sflag:$0x1] =	stream.indirect_vreg.gather [hbm4b:s9+s2], $0x80, v4, vm0, $0xb8;
	[tilespmem:$0x8080] =	vst v63  }
0x5a: {  	v3 =	vadd.s32 v0, v3  }
0x5b: {  	[tilespmem:s13], [sflag:$0x1] =	stream.indirect_vreg.gather [hbm4b:s10+s2], $0x80, v4, vm0, $0xb8;
	[tilespmem:$0x8080] =	vst v63  }
0x5c: {  	_ = 	snop  }
0x5d: {  	[tilespmem:s14], [sflag:$0x1] =	stream.indirect_vreg.gather [hbm4b:s11+s2], $0x80, v4, vm0, $0xb8;
	[tilespmem:$0x8080] =	vst v63  }
0x5e: {  	_ = 	snop  }
0x5f: {  	[tilespmem:s15], [sflag:$0x1] =	stream.indirect_vreg.gather [hbm4b:s3+s2], $0x80, v3, vm0, $0xb8;
	[tilespmem:$0x8080] =	vst v63  }
0x60: {  	_ = 	snop  }
0x61: {  	[tilespmem:s16], [sflag:$0x1] =	stream.indirect_vreg.gather [hbm4b:s4+s2], $0x80, v3, vm0, $0xb8;
	[tilespmem:$0x8080] =	vst v63  }
0x62: {  	_ = 	snop  }
0x63: {  	[tilespmem:s17], [sflag:$0x1] =	stream.indirect_vreg.gather [hbm4b:s5+s2], $0x80, v3, vm0, $0xb8;
	[tilespmem:$0x8080] =	vst v63  }
0x64: {  	_ = 	snop  }
0x65: {  	[tilespmem:s18], [sflag:$0x1] =	stream.indirect_vreg.gather [hbm4b:s6+s2], $0x80, v3, vm0, $0xb8;
	[tilespmem:$0x8080] =	vst v63  }
0x66: {  	_ = 	snop  }
0x67: {  	[tilespmem:s24], [sflag:$0x1] =	stream.indirect_vreg.gather [hbm4b:s7+s2], $0x80, v3, vm0, $0xb8;
	[tilespmem:$0x8080] =	vst v63  }
0x68: {  	_ = 	snop  }
0x69: {  	[tilespmem:s26], [sflag:$0x1] =	stream.indirect_vreg.gather [hbm4b:s9+s2], $0x80, v3, vm0, $0xb8;
	[tilespmem:$0x8080] =	vst v63  }
0x6a: {  	_ = 	snop  }
0x6b: {  	[tilespmem:s28], [sflag:$0x1] =	stream.indirect_vreg.gather [hbm4b:s10+s2], $0x80, v3, vm0, $0xb8;
	[tilespmem:$0x8080] =	vst v63  }
0x6c: {  	_ = 	snop  }
0x6d: {  	[tilespmem:s29], [sflag:$0x1] =	stream.indirect_vreg.gather [hbm4b:s11+s2], $0x80, v3, vm0, $0xb8;
	[tilespmem:$0x8080] =	vst v63  }
0x6e: {  	p1 =	sne.s32 s1, $0x1;
	_ =	swait.ge [sflag:s30], $0x8000  }
.Ltmp2:
0x6f: {  	[sflag:s30] =	ssyncset.done $0x0;
	(pc) =	sbr.rel @p1 .LBB2_2-.Ltmp2, $4  }
0x70: {  	[sflag:s30] =	ssyncadd.s32 $0xFFFF8000  }
0x71: {  	[hbm4b:s8+s2] =	stream.linear.scatter [tilespmem:s12], [sflag:$0x2], $0x8000, $0x38;
	[tilespmem:$0x8080] =	vst v63  }
0x72: {  	_ =	swait.ge [sflag:s25], $0x8000  }
0x73: {  	s1 =	sadd.s32 $0xFFFFFFFF, s1;
	s0 =	rddreg [dreg:$0x4];
	[sflag:s25] =	ssyncset.done $0x0  }
.LBB2_3:
0x74: {  	[sflag:s25] =	ssyncadd.s32 @p0 $0xFFFF8000  }
0x75: {  	[tilespmem:s2], [sflag:$0x3] =	stream.linear.gather [hbm4b:s0+s2], $0x10, $0x38;
	[tilespmem:$0x8080] =	vst v63  }
0x76: {  	_ =	swait.ge [sflag:s31], $0x10  }
0x77: {  	[sflag:s31] =	ssyncset.done $0x0  }
0x78: {  	[sflag:s31] =	ssyncadd.s32 $0xFFFFFFF0  }
0x79: {  	v3 =	vld [tilespmem:$0x0];
	_ =	sdelay $0x4  }
0x7a: {  	v4 =	vshll.u32 v3, $0x4  }
0x7b: {  	v3 =	vand.u32 $0x7, v3;
	v4 =	vand.u32 $0xFFFFFF80, v4  }
0x7c: {  	v3 =	vor.u32 v3, v4  }
0x7d: {  	v1 =	vperm.xlane v3, v1;
	_ =	sdelay $0x1  }
0x7e: {  	v1 =	vadd.s32 v0, v1;
	_ =	sdelay $0x4  }
0x7f: {  	[tilespmem:s12], [sflag:$0x1] =	stream.indirect_vreg.gather [hbm4b:s3+s2], $0x80, v1, vm0, $0xb8;
	[tilespmem:$0x8080] =	vst v63  }
0x80: {  	_ = 	snop  }
0x81: {  	[tilespmem:s20], [sflag:$0x1] =	stream.indirect_vreg.gather [hbm4b:s4+s2], $0x80, v1, vm0, $0xb8;
	[tilespmem:$0x8080] =	vst v63  }
0x82: {  	_ = 	snop  }
0x83: {  	[tilespmem:s21], [sflag:$0x1] =	stream.indirect_vreg.gather [hbm4b:s5+s2], $0x80, v1, vm0, $0xb8;
	[tilespmem:$0x8080] =	vst v63  }
0x84: {  	_ = 	snop  }
0x85: {  	[tilespmem:s22], [sflag:$0x1] =	stream.indirect_vreg.gather [hbm4b:s6+s2], $0x80, v1, vm0, $0xb8;
	[tilespmem:$0x8080] =	vst v63  }
0x86: {  	_ = 	snop  }
0x87: {  	[tilespmem:s23], [sflag:$0x1] =	stream.indirect_vreg.gather [hbm4b:s7+s2], $0x80, v1, vm0, $0xb8;
	[tilespmem:$0x8080] =	vst v63  }
0x88: {  	v2 =	vperm.xlane v3, v2  }
0x89: {  	[tilespmem:s19], [sflag:$0x1] =	stream.indirect_vreg.gather [hbm4b:s9+s2], $0x80, v1, vm0, $0xb8;
	[tilespmem:$0x8080] =	vst v63  }
0x8a: {  	v63 =	vadd.s32 v0, v2  }
0x8b: {  	[tilespmem:s13], [sflag:$0x1] =	stream.indirect_vreg.gather [hbm4b:s10+s2], $0x80, v1, vm0, $0xb8;
	[tilespmem:$0x8080] =	vst v63  }
0x8c: {  	_ = 	snop  }
0x8d: {  	[tilespmem:s14], [sflag:$0x1] =	stream.indirect_vreg.gather [hbm4b:s11+s2], $0x80, v1, vm0, $0xb8;
	[tilespmem:$0x8080] =	vst v63  }
0x8e: {  	_ = 	snop  }
0x8f: {  	[tilespmem:s15], [sflag:$0x1] =	stream.indirect_vreg.gather [hbm4b:s3+s2], $0x80, v63, vm0, $0xb8;
	[tilespmem:$0x8080] =	vst v63  }
0x90: {  	_ = 	snop  }
0x91: {  	[tilespmem:s16], [sflag:$0x1] =	stream.indirect_vreg.gather [hbm4b:s4+s2], $0x80, v63, vm0, $0xb8;
	[tilespmem:$0x8080] =	vst v63  }
0x92: {  	_ = 	snop  }
0x93: {  	[tilespmem:s17], [sflag:$0x1] =	stream.indirect_vreg.gather [hbm4b:s5+s2], $0x80, v63, vm0, $0xb8;
	[tilespmem:$0x8080] =	vst v63  }
0x94: {  	_ = 	snop  }
0x95: {  	[tilespmem:s18], [sflag:$0x1] =	stream.indirect_vreg.gather [hbm4b:s6+s2], $0x80, v63, vm0, $0xb8;
	[tilespmem:$0x8080] =	vst v63  }
0x96: {  	_ = 	snop  }
0x97: {  	[tilespmem:s24], [sflag:$0x1] =	stream.indirect_vreg.gather [hbm4b:s7+s2], $0x80, v63, vm0, $0xb8;
	[tilespmem:$0x8080] =	vst v63  }
0x98: {  	_ = 	snop  }
0x99: {  	[tilespmem:s26], [sflag:$0x1] =	stream.indirect_vreg.gather [hbm4b:s9+s2], $0x80, v63, vm0, $0xb8;
	[tilespmem:$0x8080] =	vst v63  }
0x9a: {  	_ = 	snop  }
0x9b: {  	[tilespmem:s28], [sflag:$0x1] =	stream.indirect_vreg.gather [hbm4b:s10+s2], $0x80, v63, vm0, $0xb8;
	[tilespmem:$0x8080] =	vst v63  }
0x9c: {  	_ = 	snop  }
0x9d: {  	[tilespmem:s29], [sflag:$0x1] =	stream.indirect_vreg.gather [hbm4b:s11+s2], $0x80, v63, vm0, $0xb8;
	[tilespmem:$0x8080] =	vst v63  }
0x9e: {  	_ =	swait.ge [sflag:s30], $0x8000  }
0x9f: {  	[sflag:s30] =	ssyncset.done $0x0  }
0xa0: {  	[sflag:s30] =	ssyncadd.s32 $0xFFFF8000  }
0xa1: {  	[hbm4b:s8+s2] =	stream.linear.scatter [tilespmem:s12], [sflag:$0x2], $0x8000, $0x38;
	[tilespmem:$0x8080] =	vst v63  }
0xa2: {  	_ =	swait.ge [sflag:s25], $0x8000  }
0xa3: {  	[sflag:s25] =	ssyncset.done $0x0  }
0xa4: {  	[sflag:s25] =	ssyncadd.s32 $0xFFFF8000  }
0xa5: {  	_ =	sfence.sel $0x180000  }
0xa6: {  	[bflag:$0x0] =	sbarrier.arrive $0xFFFF  }
0xa7: {  	_ =	strace $0x9000004A  }
0xa8: {  	s31 =	stileid.u32;
	[bflag:$0x2] =	sbarrier.arrive $0xFFFF  }
0xa9: {  	p0 =	sne.s32 s31, $0x0;
	s0 =	rddreg [dreg:$0x3]  }
0xaa: {  	s0 =	sadd.s32 @!p0 $0x100000, s0  }
0xab: {  	[sflag:s0] =	ssyncadd.tile.s32 @!p0 $0x1;
	_ =	shalt  }
.Lfunc_end2:
_tile_overlayer_lowered:
.L_overlay_start_2:
0xac: {  	(tag) =	ssettag $0x2  }
0xad: {  	s0 =	rddreg [dreg:$0x0];
	s2 =	stileid.u32  }
0xae: {  	s1 =	rddreg [dreg:$0x1];
	p0 =	sne.s32 s2, $0x0  }
0xaf: {  	s3 =	rddreg [dreg:$0x2];
	[bflag:$0x3] =	sbarrier.arrive $0xFFFF;
	s2 =	simm.s32 @!p0 $0x1C03  }
0xb0: {  	[timem:s3], [sflag:s2] =	dma.local @!p0 [hbm:s0], s1  }
0xb1: {  	s0 =	simm.s32 @!p0 $0x3  }
0xb2: {  	_ =	swait.ge @!p0 [sflag:s0], s1  }
0xb3: {  	s1 =	ssub.s32 @!p0 $0x0, s1;
	[sflag:s0] =	ssyncset.done @!p0 $0x0  }
0xb4: {  	[sflag:s0] =	ssyncadd.s32 @!p0 s1  }
0xb5: {  	[bflag:$0x3] =	sbarrier.arrive $0xFFFF  }
0xb6: {  	_ =	shalt  }

</sc_bundles>
